<compile_context>
chip_gen: v7x
topology: tpu7x:2x2x1
jax: 0.10.2.dev20260603
libtpu: 0.0.44.dev20260713+nightly
codegen_flags: <defaults>
</compile_context>

<pallas_src>
import functools

import jax
import jax.numpy as jnp
from jax.experimental import pallas as pl
from jax.experimental.pallas import tpu as pltpu
from jax.experimental.pallas import tpu_sc as plsc

NUM_CLUSTERS = 128
DESC_DIM = 128
ANGLE_BINS = 8
POWER_ITERS = 12
NSEG = 8 * NUM_CLUSTERS
ROWS_PER_WORKER = 2048 // 32


def _sift_hist_kernel(x_ref, out_ref):
    img = x_ref[0, 0]
    gx = (jnp.roll(img, -1, axis=1) - jnp.roll(img, 1, axis=1)) * 0.5
    gy = (jnp.roll(img, -1, axis=0) - jnp.roll(img, 1, axis=0)) * 0.5
    mag = jnp.sqrt(gx * gx + gy * gy + 1e-12)
    a = -gx
    b = -gy
    q4 = b < 0.0
    a1 = jnp.where(q4, -a, a)
    b1 = jnp.where(q4, -b, b)
    q2 = a1 <= 0.0
    a2 = jnp.where(q2, b1, a1)
    b2 = jnp.where(q2, -a1, b1)
    q1 = b2 >= a2
    ang = (
        jnp.where(q4, 4, 0) + jnp.where(q2, 2, 0) + jnp.where(q1, 1, 0)
    ).astype(jnp.int32)
    ii = jax.lax.broadcasted_iota(jnp.int32, (64, 512), 0)
    jj = jax.lax.broadcasted_iota(jnp.int32, (64, 512), 1)
    S = (jj // 8 == ii).astype(jnp.float32)
    for a in range(ANGLE_BINS):
        Ma = jnp.where(ang == a, mag, 0.0)
        SM = jax.lax.dot_general(
            S, Ma, (((1,), (0,)), ((), ())), preferred_element_type=jnp.float32
        )
        Ha = jax.lax.dot_general(
            SM, S, (((1,), (1,)), ((), ())), preferred_element_type=jnp.float32
        )
        out_ref[0, a * 64:(a + 1) * 64, :] = Ha


def _assign_kernel(descs_ref, cacc_ref, pops_ref, dn_ref, seg_ref, popsc_ref):
    B = descs_ref.shape[0]
    K, D = NUM_CLUSTERS, DESC_DIM
    centroids = cacc_ref[...] / pops_ref[...]
    ones_d = jnp.ones((1, D), jnp.float32)
    cn_row = jax.lax.dot_general(
        ones_d, centroids * centroids, (((1,), (1,)), ((), ())),
        preferred_element_type=jnp.float32,
    )
    ones_n = jnp.ones((256, 1), jnp.float32)
    kiota = jax.lax.broadcasted_iota(jnp.int32, (256, K), 1)
    for b in range(B):
        d = descs_ref[b]
        nrm = jnp.sqrt(jnp.sum(d * d, axis=1, keepdims=True))
        dn = d / (nrm + 1e-8)
        dn_ref[b] = dn
        dc = jax.lax.dot_general(
            dn, centroids, (((1,), (1,)), ((), ())), preferred_element_type=jnp.float32
        )
        score = cn_row - 2.0 * dc
        minv = jnp.min(score, axis=1, keepdims=True)
        idx = jnp.min(jnp.where(score == minv, kiota, K + 1), axis=1, keepdims=True)
        seg_ref[b] = idx + b * NUM_CLUSTERS
        A = (idx == kiota).astype(jnp.float32)
        popsc_ref[b] = jax.lax.dot_general(
            A, ones_n, (((0,), (0,)), ((), ())), preferred_element_type=jnp.float32
        )


def _sc_segsum_kernel(seg_hbm, dn_hbm, zeros_hbm, out_hbm,
                      shared, idx_v, rows_v):
    cid = jax.lax.axis_index("c")
    sid = jax.lax.axis_index("s")
    wid = sid * 2 + cid
    base = wid * ROWS_PER_WORKER
    pltpu.sync_copy(seg_hbm.at[pl.ds(base, ROWS_PER_WORKER)], idx_v)
    pltpu.sync_copy(dn_hbm.at[pl.ds(base, ROWS_PER_WORKER)], rows_v)
    pltpu.sync_copy(zeros_hbm, shared.at[pl.ds(sid * ROWS_PER_WORKER,
                                               ROWS_PER_WORKER)])
    plsc.subcore_barrier()
    pltpu.sync_copy(rows_v, shared.at[idx_v], add=True)
    plsc.subcore_barrier()
    pltpu.sync_copy(shared.at[pl.ds(sid * ROWS_PER_WORKER, ROWS_PER_WORKER)],
                    out_hbm.at[cid, pl.ds(sid * ROWS_PER_WORKER,
                                          ROWS_PER_WORKER)])


def _finish_kernel(parts_ref, popsc_ref, cacc_ref, pops_ref, out_ref, rm_ref):
    B = popsc_ref.shape[0]
    K, D = NUM_CLUSTERS, DESC_DIM
    centroids = cacc_ref[...] / pops_ref[...]
    for b in range(B):
        ds = (parts_ref[0, b * K:(b + 1) * K, :]
              + parts_ref[1, b * K:(b + 1) * K, :])
        rm_ref[b] = centroids * popsc_ref[b] - ds
    Rm = rm_ref[...]
    v = jnp.ones((B, D), jnp.float32) + jax.lax.broadcasted_iota(
        jnp.int32, (B, D), 1
    ).astype(jnp.float32) * 1e-3
    v = v / jnp.sqrt(jnp.sum(v * v, axis=1, keepdims=True))

    def body(i, v):
        w = jnp.sum(Rm * v[:, None, :], axis=2)
        u = jnp.sum(Rm * w[:, :, None], axis=1)
        return u / (jnp.sqrt(jnp.sum(u * u, axis=1, keepdims=True)) + 1e-30)

    v = jax.lax.fori_loop(0, POWER_ITERS, body, v)
    w = jnp.sum(Rm * v[:, None, :], axis=2)
    sigma = jnp.sqrt(jnp.sum(w * w, axis=1, keepdims=True))
    out_ref[...] = Rm / sigma[:, :, None]


@functools.partial(
    pl.kernel,
    mesh=plsc.VectorSubcoreMesh(core_axis_name="c", subcore_axis_name="s"),
    out_type=jax.ShapeDtypeStruct((2, NSEG, DESC_DIM), jnp.float32),
    scratch_types=[
        pltpu.VMEM_SHARED((NSEG, DESC_DIM), jnp.float32),
        pltpu.VMEM((ROWS_PER_WORKER,), jnp.int32),
        pltpu.VMEM((ROWS_PER_WORKER, DESC_DIM), jnp.float32),
    ],
)
def _sc_segsum(seg, dn, zeros, out, shared, idx_v, rows_v):
    _sc_segsum_kernel(seg, dn, zeros, out, shared, idx_v, rows_v)


@jax.jit
def kernel(x, centroids_acc, populations):
    B = x.shape[0]
    hist = pl.pallas_call(
        _sift_hist_kernel,
        grid=(B,),
        in_specs=[pl.BlockSpec((1, 1, 512, 512), lambda b: (b, 0, 0, 0))],
        out_specs=pl.BlockSpec((1, ANGLE_BINS * 64, 64), lambda b: (b, 0, 0)),
        out_shape=jax.ShapeDtypeStruct((B, ANGLE_BINS * 64, 64), jnp.float32),
    )(x)
    descs = (
        hist.reshape(B, ANGLE_BINS, 16, 4, 16, 4)
        .transpose(0, 2, 4, 3, 5, 1)
        .reshape(B, 256, DESC_DIM)
    )
    pops_col = populations.reshape(NUM_CLUSTERS, 1)
    dn, seg, popsc = pl.pallas_call(
        _assign_kernel,
        out_shape=(
            jax.ShapeDtypeStruct((B, 256, DESC_DIM), jnp.float32),
            jax.ShapeDtypeStruct((B, 256, 1), jnp.int32),
            jax.ShapeDtypeStruct((B, NUM_CLUSTERS, 1), jnp.float32),
        ),
    )(descs, centroids_acc, pops_col)
    seg_flat = seg.reshape(B * 256)
    dn_flat = dn.reshape(B * 256, DESC_DIM)
    zeros = jnp.zeros((ROWS_PER_WORKER, DESC_DIM), jnp.float32)
    parts = _sc_segsum(seg_flat, dn_flat, zeros)
    out = pl.pallas_call(
        _finish_kernel,
        out_shape=jax.ShapeDtypeStruct((B, NUM_CLUSTERS, DESC_DIM), jnp.float32),
        scratch_shapes=[pltpu.VMEM((B, NUM_CLUSTERS, DESC_DIM), jnp.float32)],
    )(parts, popsc, centroids_acc, pops_col)
    return out

# --- scband reference (transcript-rebuilt; emitter-appended) ---
"""Pipeline reference for scband-vlad-23098334118325 (READ-ONLY COPY).

The authoritative reference and input builder live on the scoring server;
editing this copy changes nothing except your own understanding.
"""

import jax, jax.numpy as jnp
import numpy as np

NUM_CLUSTERS = 128
PATCH = 32
ANGLE_BINS = 8
SPATIAL_BINS = 4
DESC_DIM = ANGLE_BINS * SPATIAL_BINS * SPATIAL_BINS  # 128


def sift_descriptors(x):
    # Dense SIFT-like descriptors: gradient-orientation histograms over a
    # non-overlapping grid of PATCH x PATCH patches, with SPATIAL_BINS^2
    # spatial cells and ANGLE_BINS orientation bins per patch.
    B, C, H, W = x.shape
    img = x[:, 0]
    gx = (jnp.roll(img, -1, axis=2) - jnp.roll(img, 1, axis=2)) * 0.5
    gy = (jnp.roll(img, -1, axis=1) - jnp.roll(img, 1, axis=1)) * 0.5
    mag = jnp.sqrt(gx * gx + gy * gy + 1e-12)
    ori = jnp.arctan2(gy, gx)  # [-pi, pi]
    ang_bin = jnp.clip(jnp.floor((ori + jnp.pi) / (2.0 * jnp.pi) * ANGLE_BINS), 0, ANGLE_BINS - 1).astype(jnp.int32)
    P = PATCH
    nph, npw = H // P, W // P
    N = nph * npw

    def to_patches(a):
        return a.reshape(B, nph, P, npw, P).transpose(0, 1, 3, 2, 4).reshape(B, N, P, P)

    mag_p = to_patches(mag)
    ang_p = to_patches(ang_bin)
    cell = P // SPATIAL_BINS
    yy = jnp.arange(P) // cell
    cell_idx = yy[:, None] * SPATIAL_BINS + yy[None, :]  # [P, P]
    bin_idx = cell_idx[None, None].astype(jnp.int32) * ANGLE_BINS + ang_p  # [B, N, P, P]
    base = jnp.arange(B * N, dtype=jnp.int32)[:, None] * DESC_DIM
    flat_idx = (base + bin_idx.reshape(B * N, P * P)).reshape(-1)
    desc = jnp.zeros((B * N * DESC_DIM,), x.dtype).at[flat_idx].add(mag_p.reshape(-1))
    desc = desc.reshape(B, N, DESC_DIM)
    desc = desc / (jnp.linalg.norm(desc, axis=-1, keepdims=True) + 1e-8)
    return desc


def setup_inputs(seed: int = 0):
    key = jax.random.key(seed)
    k1, k2, k3 = jax.random.split(key, 3)
    x = jax.random.uniform(k1, (8, 1, 512, 512), dtype=jnp.float32)
    centroids_acc = jax.random.normal(k2, (NUM_CLUSTERS, DESC_DIM), dtype=jnp.float32)
    populations = jax.random.uniform(k3, (NUM_CLUSTERS,), dtype=jnp.float32, minval=0.5, maxval=1.5)
    return {"x": x, "centroids_acc": centroids_acc, "populations": populations}


def reference(x, centroids_acc, populations):
    descs = sift_descriptors(x)
    B, N, D = descs.shape
    K = NUM_CLUSTERS
    centroids = centroids_acc / populations[:, None]
    # pairwise squared L2 distances [B, N, K]
    distances = jnp.sum((descs[:, :, None, :] - centroids[None, None, :, :]) ** 2, axis=-1)
    clusters = jnp.argmin(distances, axis=-1)  # [B, N] int
    # per-batch scatter-add of descriptors into their assigned cluster
    desc_sums = jax.vmap(lambda d, c: jax.ops.segment_sum(d, c, num_segments=K))(descs, clusters)
    pops = jax.vmap(lambda c: jax.ops.segment_sum(jnp.ones(c.shape, jnp.float32), c, num_segments=K))(clusters)
    center_sums = centroids[None, :, :] * pops[:, :, None]
    residuals = center_sums - desc_sums
    # spectral-norm normalization (torch.linalg.matrix_norm ord=2)
    norm = jnp.linalg.norm(residuals, ord=2, axis=(-2, -1))[:, None, None]
    return residuals / norm

if __name__ == "__main__":
    import jax
    _d = setup_inputs()
    print(jax.jit(kernel)(*tuple(_d.values())))

</pallas_src>

<mosaic_0001>
#map = affine_map<(d0, d1) -> (0)>
#map1 = affine_map<(d0, d1) -> (0, 0)>
#map2 = affine_map<(d0, d1) -> (0, 0, 0)>
module attributes {stable_mosaic.version = 14 : i64} {
  func.func @_sc_segsum(%arg0: i32, %arg1: i32, %arg2: memref<2048xi32, #tpu.memory_space<hbm>>, %arg3: memref<2048x128xf32, #tpu.memory_space<hbm>>, %arg4: memref<64x128xf32, #tpu.memory_space<hbm>>, %arg5: memref<2x1024x128xf32, #tpu.memory_space<hbm>>, %arg6: memref<1024x128xf32, #tpu.memory_space<vmem_shared>>, %arg7: memref<64xi32, #tpu.memory_space<vmem>>, %arg8: memref<64x128xf32, #tpu.memory_space<vmem>>) attributes {dimension_semantics = [#tpu.dimension_semantics<core_parallel>, #tpu.dimension_semantics<subcore_parallel>], iteration_bounds = array<i64: 2, 16>, scalar_prefetch = 0 : i64, scratch_operands = 3 : i64, tpu.core_type = #tpu.core_type<sc_vector_subcore>, window_params = [{transform_indices = #map}, {transform_indices = #map1}, {transform_indices = #map1}, {transform_indices = #map2}]} {
    %mul3A = arith.constant 2 : i32
    %mul3A_0 = arith.muli %arg1, %mul3A : i32
    %add3A = arith.addi %mul3A_0, %arg0 : i32
    %mul3A_1 = arith.constant 64 : i32
    %mul3A_2 = arith.muli %add3A, %mul3A_1 : i32
    "tpu.region"() ({
      %run_scoped3A = tpu.sem_alloc : memref<!tpu.dma_semaphore, #tpu.memory_space<semaphore_mem>>
      %dma_start3A = tpu.memref_slice %arg2[%mul3A_2] : memref<2048xi32, #tpu.memory_space<hbm>> -> memref<64xi32, #tpu.memory_space<hbm>>
      %dma_start3A_10 = tpu.memref_slice %arg2[%mul3A_2] : memref<2048xi32, #tpu.memory_space<hbm>> -> memref<64xi32, #tpu.memory_space<hbm>>
      tpu.enqueue_dma source(%dma_start3A_10 : memref<64xi32, #tpu.memory_space<hbm>>) target(%arg7 : memref<64xi32, #tpu.memory_space<vmem>>) target_semaphore(%run_scoped3A : memref<!tpu.dma_semaphore, #tpu.memory_space<semaphore_mem>>)
      %dma_wait3A = tpu.memref_slice %arg2[%mul3A_2] : memref<2048xi32, #tpu.memory_space<hbm>> -> memref<64xi32, #tpu.memory_space<hbm>>
      %dma_wait3A_11 = tpu.memref_slice %arg2[%mul3A_2] : memref<2048xi32, #tpu.memory_space<hbm>> -> memref<64xi32, #tpu.memory_space<hbm>>
      tpu.wait_dma2 semaphore(%run_scoped3A : memref<!tpu.dma_semaphore, #tpu.memory_space<semaphore_mem>>) src(%dma_wait3A_11 : memref<64xi32, #tpu.memory_space<hbm>>) dst(%arg7 : memref<64xi32, #tpu.memory_space<vmem>>)
      tpu.yield
    }) : () -> ()
    "tpu.region"() ({
      %run_scoped3A = tpu.sem_alloc : memref<!tpu.dma_semaphore, #tpu.memory_space<semaphore_mem>>
      %dma_start3A = arith.constant 0 : i32
      %dma_start3A_10 = tpu.memref_slice %arg3[%mul3A_2, %dma_start3A] : memref<2048x128xf32, #tpu.memory_space<hbm>> -> memref<64x128xf32, #tpu.memory_space<hbm>>
      %dma_start3A_11 = arith.constant 0 : i32
      %dma_start3A_12 = tpu.memref_slice %arg3[%mul3A_2, %dma_start3A_11] : memref<2048x128xf32, #tpu.memory_space<hbm>> -> memref<64x128xf32, #tpu.memory_space<hbm>>
      tpu.enqueue_dma source(%dma_start3A_12 : memref<64x128xf32, #tpu.memory_space<hbm>>) target(%arg8 : memref<64x128xf32, #tpu.memory_space<vmem>>) target_semaphore(%run_scoped3A : memref<!tpu.dma_semaphore, #tpu.memory_space<semaphore_mem>>)
      %dma_wait3A = arith.constant 0 : i32
      %dma_wait3A_13 = tpu.memref_slice %arg3[%mul3A_2, %dma_wait3A] : memref<2048x128xf32, #tpu.memory_space<hbm>> -> memref<64x128xf32, #tpu.memory_space<hbm>>
      %dma_wait3A_14 = arith.constant 0 : i32
      %dma_wait3A_15 = tpu.memref_slice %arg3[%mul3A_2, %dma_wait3A_14] : memref<2048x128xf32, #tpu.memory_space<hbm>> -> memref<64x128xf32, #tpu.memory_space<hbm>>
      tpu.wait_dma2 semaphore(%run_scoped3A : memref<!tpu.dma_semaphore, #tpu.memory_space<semaphore_mem>>) src(%dma_wait3A_15 : memref<64x128xf32, #tpu.memory_space<hbm>>) dst(%arg8 : memref<64x128xf32, #tpu.memory_space<vmem>>)
      tpu.yield
    }) : () -> ()
    %mul3A_3 = arith.constant 64 : i32
    %mul3A_4 = arith.muli %arg1, %mul3A_3 : i32
    "tpu.region"() ({
      %run_scoped3A = tpu.sem_alloc : memref<!tpu.dma_semaphore, #tpu.memory_space<semaphore_mem>>
      %dma_start3A = arith.constant 0 : i32
      %dma_start3A_10 = tpu.memref_slice %arg6[%mul3A_4, %dma_start3A] : memref<1024x128xf32, #tpu.memory_space<vmem_shared>> -> memref<64x128xf32, #tpu.memory_space<vmem_shared>>
      tpu.enqueue_dma source(%arg4 : memref<64x128xf32, #tpu.memory_space<hbm>>) target(%dma_start3A_10 : memref<64x128xf32, #tpu.memory_space<vmem_shared>>) target_semaphore(%run_scoped3A : memref<!tpu.dma_semaphore, #tpu.memory_space<semaphore_mem>>)
      %dma_wait3A = arith.constant 0 : i32
      %dma_wait3A_11 = tpu.memref_slice %arg6[%mul3A_4, %dma_wait3A] : memref<1024x128xf32, #tpu.memory_space<vmem_shared>> -> memref<64x128xf32, #tpu.memory_space<vmem_shared>>
      tpu.wait_dma2 semaphore(%run_scoped3A : memref<!tpu.dma_semaphore, #tpu.memory_space<semaphore_mem>>) src(%arg4 : memref<64x128xf32, #tpu.memory_space<hbm>>) dst(%dma_wait3A_11 : memref<64x128xf32, #tpu.memory_space<vmem_shared>>)
      tpu.yield
    }) : () -> ()
    %barrier3A = arith.constant 0 : index
    tpu.barrier barrier_id(%barrier3A)
    "tpu.region"() ({
      %run_scoped3A = tpu.sem_alloc : memref<!tpu.dma_semaphore, #tpu.memory_space<semaphore_mem>>
      %dma_start3A = arith.constant 0 : i32
      %dma_start3A_10 = arith.constant 0 : i32
      %dma_start3A_11 = tpu.memref_slice %arg6[%dma_start3A, %dma_start3A_10] : memref<1024x128xf32, #tpu.memory_space<vmem_shared>> -> memref<1024x128xf32, #tpu.memory_space<vmem_shared>>
      tpu.enqueue_indirect_dma source(%arg8 : memref<64x128xf32, #tpu.memory_space<vmem>>) target(%dma_start3A_11 : memref<1024x128xf32, #tpu.memory_space<vmem_shared>>) offsets(%arg7 : memref<64xi32, #tpu.memory_space<vmem>>) semaphore(%run_scoped3A : memref<!tpu.dma_semaphore, #tpu.memory_space<semaphore_mem>>) {add = true}
      %dma_wait3A = arith.constant 0 : i32
      %dma_wait3A_12 = arith.constant 0 : i32
      %dma_wait3A_13 = tpu.memref_slice %arg6[%dma_wait3A, %dma_wait3A_12] : memref<1024x128xf32, #tpu.memory_space<vmem_shared>> -> memref<1024x128xf32, #tpu.memory_space<vmem_shared>>
      tpu.wait_indirect_dma semaphore(%run_scoped3A : memref<!tpu.dma_semaphore, #tpu.memory_space<semaphore_mem>>) src(%arg8 : memref<64x128xf32, #tpu.memory_space<vmem>>) dst(%dma_wait3A_13 : memref<1024x128xf32, #tpu.memory_space<vmem_shared>>)
      tpu.yield
    }) : () -> ()
    %barrier3A_5 = arith.constant 0 : index
    tpu.barrier barrier_id(%barrier3A_5)
    %mul3A_6 = arith.constant 64 : i32
    %mul3A_7 = arith.muli %arg1, %mul3A_6 : i32
    %mul3A_8 = arith.constant 64 : i32
    %mul3A_9 = arith.muli %arg1, %mul3A_8 : i32
    "tpu.region"() ({
      %run_scoped3A = tpu.sem_alloc : memref<!tpu.dma_semaphore, #tpu.memory_space<semaphore_mem>>
      %dma_start3A = arith.constant 0 : i32
      %dma_start3A_10 = tpu.memref_slice %arg5[%arg0, %mul3A_9, %dma_start3A] : memref<2x1024x128xf32, #tpu.memory_space<hbm>> -> memref<1x64x128xf32, #tpu.memory_space<hbm>>
      %dma_start3A_11 = tpu.memref_squeeze %dma_start3A_10 : memref<1x64x128xf32, #tpu.memory_space<hbm>> -> memref<64x128xf32, #tpu.memory_space<hbm>>
      %dma_start3A_12 = arith.constant 0 : i32
      %dma_start3A_13 = tpu.memref_slice %arg6[%mul3A_7, %dma_start3A_12] : memref<1024x128xf32, #tpu.memory_space<vmem_shared>> -> memref<64x128xf32, #tpu.memory_space<vmem_shared>>
      tpu.enqueue_dma source(%dma_start3A_13 : memref<64x128xf32, #tpu.memory_space<vmem_shared>>) target(%dma_start3A_11 : memref<64x128xf32, #tpu.memory_space<hbm>>) target_semaphore(%run_scoped3A : memref<!tpu.dma_semaphore, #tpu.memory_space<semaphore_mem>>)
      %dma_wait3A = arith.constant 0 : i32
      %dma_wait3A_14 = tpu.memref_slice %arg5[%arg0, %mul3A_9, %dma_wait3A] : memref<2x1024x128xf32, #tpu.memory_space<hbm>> -> memref<1x64x128xf32, #tpu.memory_space<hbm>>
      %dma_wait3A_15 = tpu.memref_squeeze %dma_wait3A_14 : memref<1x64x128xf32, #tpu.memory_space<hbm>> -> memref<64x128xf32, #tpu.memory_space<hbm>>
      %dma_wait3A_16 = arith.constant 0 : i32
      %dma_wait3A_17 = tpu.memref_slice %arg6[%mul3A_7, %dma_wait3A_16] : memref<1024x128xf32, #tpu.memory_space<vmem_shared>> -> memref<64x128xf32, #tpu.memory_space<vmem_shared>>
      tpu.wait_dma2 semaphore(%run_scoped3A : memref<!tpu.dma_semaphore, #tpu.memory_space<semaphore_mem>>) src(%dma_wait3A_17 : memref<64x128xf32, #tpu.memory_space<vmem_shared>>) dst(%dma_wait3A_15 : memref<64x128xf32, #tpu.memory_space<hbm>>)
      tpu.yield
    }) : () -> ()
    return
  }
}

module attributes {stable_mosaic.version = 14 : i64} {
  func.func @_sift_hist_kernel(%arg0: i32, %arg1: memref<1x1x512x512xf32, #tpu.memory_space<vmem>>, %arg2: memref<1x512x64xf32, #tpu.memory_space<vmem>>) attributes {dimension_semantics = [#tpu.dimension_semantics<arbitrary>], iteration_bounds = array<i64: 8>, scalar_prefetch = 0 : i64, scratch_operands = 0 : i64, tpu.core_type = #tpu.core_type<tc>, window_params = [{transform_indices = @transform_0, window_bounds = array<i64: 1, 1, 512, 512>}, {transform_indices = @transform_1, window_bounds = array<i64: 1, 512, 64>}]} {
    %get3A = arith.constant 0 : index
    %get3A_0 = arith.constant 0 : index
    %get3A_1 = arith.constant 0 : index
    %get3A_2 = arith.constant 0 : index
    %get3A_3 = vector.load %arg1[%get3A, %get3A_0, %get3A_1, %get3A_2] : memref<1x1x512x512xf32, #tpu.memory_space<vmem>>, vector<1x1x512x512xf32>
    %get3A_4 = vector.shape_cast %get3A_3 : vector<1x1x512x512xf32> to vector<512x512xf32>
    %slice3A = vector.extract_strided_slice %get3A_4 {offsets = [0, 1], sizes = [512, 511], strides = [1, 1]} : vector<512x512xf32> to vector<512x511xf32>
    %slice3A_5 = vector.extract_strided_slice %get3A_4 {offsets = [0, 0], sizes = [512, 1], strides = [1, 1]} : vector<512x512xf32> to vector<512x1xf32>
    %concatenate3A = tpu.concatenate %slice3A, %slice3A_5 in 1 : vector<512x511xf32>, vector<512x1xf32> -> vector<512x512xf32>
    %slice3A_6 = vector.extract_strided_slice %get3A_4 {offsets = [0, 511], sizes = [512, 1], strides = [1, 1]} : vector<512x512xf32> to vector<512x1xf32>
    %slice3A_7 = vector.extract_strided_slice %get3A_4 {offsets = [0, 0], sizes = [512, 511], strides = [1, 1]} : vector<512x512xf32> to vector<512x511xf32>
    %concatenate3A_8 = tpu.concatenate %slice3A_6, %slice3A_7 in 1 : vector<512x1xf32>, vector<512x511xf32> -> vector<512x512xf32>
    %sub3A = arith.subf %concatenate3A, %concatenate3A_8 : vector<512x512xf32>
    %mul3A = arith.constant 5.000000e-01 : f32
    %mul3A_9 = vector.broadcast %mul3A : f32 to vector<512x512xf32>
    %mul3A_10 = arith.mulf %sub3A, %mul3A_9 : vector<512x512xf32>
    %slice3A_11 = vector.extract_strided_slice %get3A_4 {offsets = [1, 0], sizes = [511, 512], strides = [1, 1]} : vector<512x512xf32> to vector<511x512xf32>
    %slice3A_12 = vector.extract_strided_slice %get3A_4 {offsets = [0, 0], sizes = [1, 512], strides = [1, 1]} : vector<512x512xf32> to vector<1x512xf32>
    %concatenate3A_13 = tpu.concatenate %slice3A_11, %slice3A_12 in 0 : vector<511x512xf32>, vector<1x512xf32> -> vector<512x512xf32>
    %slice3A_14 = vector.extract_strided_slice %get3A_4 {offsets = [511, 0], sizes = [1, 512], strides = [1, 1]} : vector<512x512xf32> to vector<1x512xf32>
    %slice3A_15 = vector.extract_strided_slice %get3A_4 {offsets = [0, 0], sizes = [511, 512], strides = [1, 1]} : vector<512x512xf32> to vector<511x512xf32>
    %concatenate3A_16 = tpu.concatenate %slice3A_14, %slice3A_15 in 0 : vector<1x512xf32>, vector<511x512xf32> -> vector<512x512xf32>
    %sub3A_17 = arith.subf %concatenate3A_13, %concatenate3A_16 : vector<512x512xf32>
    %mul3A_18 = arith.constant 5.000000e-01 : f32
    %mul3A_19 = vector.broadcast %mul3A_18 : f32 to vector<512x512xf32>
    %mul3A_20 = arith.mulf %sub3A_17, %mul3A_19 : vector<512x512xf32>
    %mul3A_21 = arith.mulf %mul3A_10, %mul3A_10 : vector<512x512xf32>
    %mul3A_22 = arith.mulf %mul3A_20, %mul3A_20 : vector<512x512xf32>
    %add3A = arith.addf %mul3A_21, %mul3A_22 : vector<512x512xf32>
    %add3A_23 = arith.constant 9.99999996E-13 : f32
    %add3A_24 = vector.broadcast %add3A_23 : f32 to vector<512x512xf32>
    %add3A_25 = arith.addf %add3A, %add3A_24 : vector<512x512xf32>
    %sqrt3A = math.sqrt %add3A_25 : vector<512x512xf32>
    %neg3A = arith.constant 0.000000e+00 : f32
    %neg3A_26 = vector.broadcast %neg3A : f32 to vector<512x512xf32>
    %neg3A_27 = arith.subf %neg3A_26, %mul3A_10 : vector<512x512xf32>
    %neg3A_28 = arith.constant 0.000000e+00 : f32
    %neg3A_29 = vector.broadcast %neg3A_28 : f32 to vector<512x512xf32>
    %neg3A_30 = arith.subf %neg3A_29, %mul3A_20 : vector<512x512xf32>
    %lt3A = arith.constant 0.000000e+00 : f32
    %lt3A_31 = vector.broadcast %lt3A : f32 to vector<512x512xf32>
    %lt3A_32 = arith.cmpf olt, %neg3A_30, %lt3A_31 : vector<512x512xf32>
    %neg3A_33 = arith.constant 0.000000e+00 : f32
    %neg3A_34 = vector.broadcast %neg3A_33 : f32 to vector<512x512xf32>
    %neg3A_35 = arith.subf %neg3A_34, %neg3A_27 : vector<512x512xf32>
    %select_n3A = arith.select %lt3A_32, %neg3A_35, %neg3A_27 : vector<512x512xi1>, vector<512x512xf32>
    %neg3A_36 = arith.constant 0.000000e+00 : f32
    %neg3A_37 = vector.broadcast %neg3A_36 : f32 to vector<512x512xf32>
    %neg3A_38 = arith.subf %neg3A_37, %neg3A_30 : vector<512x512xf32>
    %select_n3A_39 = arith.select %lt3A_32, %neg3A_38, %neg3A_30 : vector<512x512xi1>, vector<512x512xf32>
    %le3A = arith.constant 0.000000e+00 : f32
    %le3A_40 = vector.broadcast %le3A : f32 to vector<512x512xf32>
    %le3A_41 = arith.cmpf ole, %select_n3A, %le3A_40 : vector<512x512xf32>
    %select_n3A_42 = arith.select %le3A_41, %select_n3A_39, %select_n3A : vector<512x512xi1>, vector<512x512xf32>
    %neg3A_43 = arith.constant 0.000000e+00 : f32
    %neg3A_44 = vector.broadcast %neg3A_43 : f32 to vector<512x512xf32>
    %neg3A_45 = arith.subf %neg3A_44, %select_n3A : vector<512x512xf32>
    %select_n3A_46 = arith.select %le3A_41, %neg3A_45, %select_n3A_39 : vector<512x512xi1>, vector<512x512xf32>
    %ge3A = arith.cmpf oge, %select_n3A_46, %select_n3A_42 : vector<512x512xf32>
    %jit3A = arith.constant 4 : i32
    %jit3A_47 = arith.constant 0 : i32
    %broadcast_in_dim3A = vector.broadcast %jit3A : i32 to vector<512x512xi32>
    %broadcast_in_dim3A_48 = vector.broadcast %jit3A_47 : i32 to vector<512x512xi32>
    %select_n3A_49 = arith.select %lt3A_32, %broadcast_in_dim3A, %broadcast_in_dim3A_48 : vector<512x512xi1>, vector<512x512xi32>
    %jit3A_50 = arith.constant 2 : i32
    %jit3A_51 = arith.constant 0 : i32
    %broadcast_in_dim3A_52 = vector.broadcast %jit3A_50 : i32 to vector<512x512xi32>
    %broadcast_in_dim3A_53 = vector.broadcast %jit3A_51 : i32 to vector<512x512xi32>
    %select_n3A_54 = arith.select %le3A_41, %broadcast_in_dim3A_52, %broadcast_in_dim3A_53 : vector<512x512xi1>, vector<512x512xi32>
    %add3A_55 = arith.addi %select_n3A_49, %select_n3A_54 : vector<512x512xi32>
    %jit3A_56 = arith.constant 1 : i32
    %jit3A_57 = arith.constant 0 : i32
    %broadcast_in_dim3A_58 = vector.broadcast %jit3A_56 : i32 to vector<512x512xi32>
    %broadcast_in_dim3A_59 = vector.broadcast %jit3A_57 : i32 to vector<512x512xi32>
    %select_n3A_60 = arith.select %ge3A, %broadcast_in_dim3A_58, %broadcast_in_dim3A_59 : vector<512x512xi1>, vector<512x512xi32>
    %add3A_61 = arith.addi %add3A_55, %select_n3A_60 : vector<512x512xi32>
    %iota3A = tpu.iota {dimensions = array<i32: 0>} : vector<64x512xi32>
    %iota3A_62 = tpu.iota {dimensions = array<i32: 1>} : vector<64x512xi32>
    %jit3A_63 = arith.constant 8 : i32
    %div3A = vector.broadcast %jit3A_63 : i32 to vector<64x512xi32>
    %div3A_64 = arith.divsi %iota3A_62, %div3A : vector<64x512xi32>
    %sign3A = arith.constant 0 : i32
    %sign3A_65 = vector.broadcast %sign3A : i32 to vector<64x512xi32>
    %sign3A_66 = arith.cmpi sgt, %iota3A_62, %sign3A_65 : vector<64x512xi32>
    %sign3A_67 = arith.extui %sign3A_66 : vector<64x512xi1> to vector<64x512xi32>
    %sign3A_68 = arith.constant 0 : i32
    %sign3A_69 = vector.broadcast %sign3A_68 : i32 to vector<64x512xi32>
    %sign3A_70 = arith.cmpi slt, %iota3A_62, %sign3A_69 : vector<64x512xi32>
    %sign3A_71 = arith.extui %sign3A_70 : vector<64x512xi1> to vector<64x512xi32>
    %sign3A_72 = arith.subi %sign3A_67, %sign3A_71 : vector<64x512xi32>
    %sign3A_73 = arith.constant 0 : i32
    %sign3A_74 = arith.cmpi sgt, %jit3A_63, %sign3A_73 : i32
    %sign3A_75 = arith.extui %sign3A_74 : i1 to i32
    %sign3A_76 = arith.constant 0 : i32
    %sign3A_77 = arith.cmpi slt, %jit3A_63, %sign3A_76 : i32
    %sign3A_78 = arith.extui %sign3A_77 : i1 to i32
    %sign3A_79 = arith.subi %sign3A_75, %sign3A_78 : i32
    %ne3A = vector.broadcast %sign3A_79 : i32 to vector<64x512xi32>
    %ne3A_80 = arith.cmpi ne, %sign3A_72, %ne3A : vector<64x512xi32>
    %rem3A = vector.broadcast %jit3A_63 : i32 to vector<64x512xi32>
    %rem3A_81 = arith.remsi %iota3A_62, %rem3A : vector<64x512xi32>
    %ne3A_82 = arith.constant 0 : i32
    %ne3A_83 = vector.broadcast %ne3A_82 : i32 to vector<64x512xi32>
    %ne3A_84 = arith.cmpi ne, %rem3A_81, %ne3A_83 : vector<64x512xi32>
    %and3A = arith.andi %ne3A_80, %ne3A_84 : vector<64x512xi1>
    %sub3A_85 = arith.constant 1 : i32
    %sub3A_86 = vector.broadcast %sub3A_85 : i32 to vector<64x512xi32>
    %sub3A_87 = arith.subi %div3A_64, %sub3A_86 : vector<64x512xi32>
    %select_n3A_88 = arith.select %and3A, %sub3A_87, %div3A_64 : vector<64x512xi1>, vector<64x512xi32>
    %eq3A = arith.cmpi eq, %select_n3A_88, %iota3A : vector<64x512xi32>
    %convert_element_type3A = arith.extui %eq3A : vector<64x512xi1> to vector<64x512xi32>
    %convert_element_type3A_89 = arith.sitofp %convert_element_type3A : vector<64x512xi32> to vector<64x512xf32>
    %eq3A_90 = arith.constant 0 : i32
    %eq3A_91 = vector.broadcast %eq3A_90 : i32 to vector<512x512xi32>
    %eq3A_92 = arith.cmpi eq, %add3A_61, %eq3A_91 : vector<512x512xi32>
    %jit3A_93 = arith.constant 0.000000e+00 : f32
    %broadcast_in_dim3A_94 = vector.broadcast %jit3A_93 : f32 to vector<512x512xf32>
    %select_n3A_95 = arith.select %eq3A_92, %sqrt3A, %broadcast_in_dim3A_94 : vector<512x512xi1>, vector<512x512xf32>
    %dot_general3A = arith.constant dense<0.000000e+00> : vector<64x512xf32>
    %dot_general3A_96 = tpu.matmul %convert_element_type3A_89, %select_n3A_95, %dot_general3A {dimension_numbers = #tpu.dot_dimension_numbers<[1], [0], [0], [1], [0, 0, 1, 1], [], []>, transpose_lhs_hint = false} : vector<64x512xf32>, vector<512x512xf32>, vector<64x512xf32> -> vector<64x512xf32>
    %dot_general3A_97 = arith.constant dense<0.000000e+00> : vector<64x64xf32>
    %dot_general3A_98 = tpu.matmul %dot_general3A_96, %convert_element_type3A_89, %dot_general3A_97 {dimension_numbers = #tpu.dot_dimension_numbers<[1], [1], [0], [0], [0, 0, 1, 0], [], []>, transpose_lhs_hint = false} : vector<64x512xf32>, vector<64x512xf32>, vector<64x64xf32> -> vector<64x64xf32>
    %swap3A = arith.constant 0 : index
    %swap3A_99 = arith.constant 0 : index
    %swap3A_100 = arith.constant 0 : index
    %swap3A_101 = vector.load %arg2[%swap3A, %swap3A_99, %swap3A_100] : memref<1x512x64xf32, #tpu.memory_space<vmem>>, vector<1x64x64xf32>
    %swap3A_102 = vector.shape_cast %swap3A_101 : vector<1x64x64xf32> to vector<64x64xf32>
    %swap3A_103 = vector.shape_cast %dot_general3A_98 : vector<64x64xf32> to vector<1x64x64xf32>
    tpu.vector_store %arg2[%swap3A, %swap3A_99, %swap3A_100], %swap3A_103 {strides = array<i32>} : memref<1x512x64xf32, #tpu.memory_space<vmem>>, vector<1x64x64xf32>,
    %eq3A_104 = arith.constant 1 : i32
    %eq3A_105 = vector.broadcast %eq3A_104 : i32 to vector<512x512xi32>
    %eq3A_106 = arith.cmpi eq, %add3A_61, %eq3A_105 : vector<512x512xi32>
    %jit3A_107 = arith.constant 0.000000e+00 : f32
    %broadcast_in_dim3A_108 = vector.broadcast %jit3A_107 : f32 to vector<512x512xf32>
    %select_n3A_109 = arith.select %eq3A_106, %sqrt3A, %broadcast_in_dim3A_108 : vector<512x512xi1>, vector<512x512xf32>
    %dot_general3A_110 = arith.constant dense<0.000000e+00> : vector<64x512xf32>
    %dot_general3A_111 = tpu.matmul %convert_element_type3A_89, %select_n3A_109, %dot_general3A_110 {dimension_numbers = #tpu.dot_dimension_numbers<[1], [0], [0], [1], [0, 0, 1, 1], [], []>, transpose_lhs_hint = false} : vector<64x512xf32>, vector<512x512xf32>, vector<64x512xf32> -> vector<64x512xf32>
    %dot_general3A_112 = arith.constant dense<0.000000e+00> : vector<64x64xf32>
    %dot_general3A_113 = tpu.matmul %dot_general3A_111, %convert_element_type3A_89, %dot_general3A_112 {dimension_numbers = #tpu.dot_dimension_numbers<[1], [1], [0], [0], [0, 0, 1, 0], [], []>, transpose_lhs_hint = false} : vector<64x512xf32>, vector<64x512xf32>, vector<64x64xf32> -> vector<64x64xf32>
    %swap3A_114 = arith.constant 0 : index
    %swap3A_115 = arith.constant 64 : index
    %swap3A_116 = arith.constant 0 : index
    %swap3A_117 = vector.load %arg2[%swap3A_114, %swap3A_115, %swap3A_116] : memref<1x512x64xf32, #tpu.memory_space<vmem>>, vector<1x64x64xf32>
    %swap3A_118 = vector.shape_cast %swap3A_117 : vector<1x64x64xf32> to vector<64x64xf32>
    %swap3A_119 = vector.shape_cast %dot_general3A_113 : vector<64x64xf32> to vector<1x64x64xf32>
    tpu.vector_store %arg2[%swap3A_114, %swap3A_115, %swap3A_116], %swap3A_119 {strides = array<i32>} : memref<1x512x64xf32, #tpu.memory_space<vmem>>, vector<1x64x64xf32>,
    %eq3A_120 = arith.constant 2 : i32
    %eq3A_121 = vector.broadcast %eq3A_120 : i32 to vector<512x512xi32>
    %eq3A_122 = arith.cmpi eq, %add3A_61, %eq3A_121 : vector<512x512xi32>
    %jit3A_123 = arith.constant 0.000000e+00 : f32
    %broadcast_in_dim3A_124 = vector.broadcast %jit3A_123 : f32 to vector<512x512xf32>
    %select_n3A_125 = arith.select %eq3A_122, %sqrt3A, %broadcast_in_dim3A_124 : vector<512x512xi1>, vector<512x512xf32>
    %dot_general3A_126 = arith.constant dense<0.000000e+00> : vector<64x512xf32>
    %dot_general3A_127 = tpu.matmul %convert_element_type3A_89, %select_n3A_125, %dot_general3A_126 {dimension_numbers = #tpu.dot_dimension_numbers<[1], [0], [0], [1], [0, 0, 1, 1], [], []>, transpose_lhs_hint = false} : vector<64x512xf32>, vector<512x512xf32>, vector<64x512xf32> -> vector<64x512xf32>
    %dot_general3A_128 = arith.constant dense<0.000000e+00> : vector<64x64xf32>
    %dot_general3A_129 = tpu.matmul %dot_general3A_127, %convert_element_type3A_89, %dot_general3A_128 {dimension_numbers = #tpu.dot_dimension_numbers<[1], [1], [0], [0], [0, 0, 1, 0], [], []>, transpose_lhs_hint = false} : vector<64x512xf32>, vector<64x512xf32>, vector<64x64xf32> -> vector<64x64xf32>
    %swap3A_130 = arith.constant 0 : index
    %swap3A_131 = arith.constant 128 : index
    %swap3A_132 = arith.constant 0 : index
    %swap3A_133 = vector.load %arg2[%swap3A_130, %swap3A_131, %swap3A_132] : memref<1x512x64xf32, #tpu.memory_space<vmem>>, vector<1x64x64xf32>
    %swap3A_134 = vector.shape_cast %swap3A_133 : vector<1x64x64xf32> to vector<64x64xf32>
    %swap3A_135 = vector.shape_cast %dot_general3A_129 : vector<64x64xf32> to vector<1x64x64xf32>
    tpu.vector_store %arg2[%swap3A_130, %swap3A_131, %swap3A_132], %swap3A_135 {strides = array<i32>} : memref<1x512x64xf32, #tpu.memory_space<vmem>>, vector<1x64x64xf32>,
    %eq3A_136 = arith.constant 3 : i32
    %eq3A_137 = vector.broadcast %eq3A_136 : i32 to vector<512x512xi32>
    %eq3A_138 = arith.cmpi eq, %add3A_61, %eq3A_137 : vector<512x512xi32>
    %jit3A_139 = arith.constant 0.000000e+00 : f32
    %broadcast_in_dim3A_140 = vector.broadcast %jit3A_139 : f32 to vector<512x512xf32>
    %select_n3A_141 = arith.select %eq3A_138, %sqrt3A, %broadcast_in_dim3A_140 : vector<512x512xi1>, vector<512x512xf32>
    %dot_general3A_142 = arith.constant dense<0.000000e+00> : vector<64x512xf32>
    %dot_general3A_143 = tpu.matmul %convert_element_type3A_89, %select_n3A_141, %dot_general3A_142 {dimension_numbers = #tpu.dot_dimension_numbers<[1], [0], [0], [1], [0, 0, 1, 1], [], []>, transpose_lhs_hint = false} : vector<64x512xf32>, vector<512x512xf32>, vector<64x512xf32> -> vector<64x512xf32>
    %dot_general3A_144 = arith.constant dense<0.000000e+00> : vector<64x64xf32>
    %dot_general3A_145 = tpu.matmul %dot_general3A_143, %convert_element_type3A_89, %dot_general3A_144 {dimension_numbers = #tpu.dot_dimension_numbers<[1], [1], [0], [0], [0, 0, 1, 0], [], []>, transpose_lhs_hint = false} : vector<64x512xf32>, vector<64x512xf32>, vector<64x64xf32> -> vector<64x64xf32>
    %swap3A_146 = arith.constant 0 : index
    %swap3A_147 = arith.constant 192 : index
    %swap3A_148 = arith.constant 0 : index
    %swap3A_149 = vector.load %arg2[%swap3A_146, %swap3A_147, %swap3A_148] : memref<1x512x64xf32, #tpu.memory_space<vmem>>, vector<1x64x64xf32>
    %swap3A_150 = vector.shape_cast %swap3A_149 : vector<1x64x64xf32> to vector<64x64xf32>
    %swap3A_151 = vector.shape_cast %dot_general3A_145 : vector<64x64xf32> to vector<1x64x64xf32>
    tpu.vector_store %arg2[%swap3A_146, %swap3A_147, %swap3A_148], %swap3A_151 {strides = array<i32>} : memref<1x512x64xf32, #tpu.memory_space<vmem>>, vector<1x64x64xf32>,
    %eq3A_152 = arith.constant 4 : i32
    %eq3A_153 = vector.broadcast %eq3A_152 : i32 to vector<512x512xi32>
    %eq3A_154 = arith.cmpi eq, %add3A_61, %eq3A_153 : vector<512x512xi32>
    %jit3A_155 = arith.constant 0.000000e+00 : f32
    %broadcast_in_dim3A_156 = vector.broadcast %jit3A_155 : f32 to vector<512x512xf32>
    %select_n3A_157 = arith.select %eq3A_154, %sqrt3A, %broadcast_in_dim3A_156 : vector<512x512xi1>, vector<512x512xf32>
    %dot_general3A_158 = arith.constant dense<0.000000e+00> : vector<64x512xf32>
    %dot_general3A_159 = tpu.matmul %convert_element_type3A_89, %select_n3A_157, %dot_general3A_158 {dimension_numbers = #tpu.dot_dimension_numbers<[1], [0], [0], [1], [0, 0, 1, 1], [], []>, transpose_lhs_hint = false} : vector<64x512xf32>, vector<512x512xf32>, vector<64x512xf32> -> vector<64x512xf32>
    %dot_general3A_160 = arith.constant dense<0.000000e+00> : vector<64x64xf32>
    %dot_general3A_161 = tpu.matmul %dot_general3A_159, %convert_element_type3A_89, %dot_general3A_160 {dimension_numbers = #tpu.dot_dimension_numbers<[1], [1], [0], [0], [0, 0, 1, 0], [], []>, transpose_lhs_hint = false} : vector<64x512xf32>, vector<64x512xf32>, vector<64x64xf32> -> vector<64x64xf32>
    %swap3A_162 = arith.constant 0 : index
    %swap3A_163 = arith.constant 256 : index
    %swap3A_164 = arith.constant 0 : index
    %swap3A_165 = vector.load %arg2[%swap3A_162, %swap3A_163, %swap3A_164] : memref<1x512x64xf32, #tpu.memory_space<vmem>>, vector<1x64x64xf32>
    %swap3A_166 = vector.shape_cast %swap3A_165 : vector<1x64x64xf32> to vector<64x64xf32>
    %swap3A_167 = vector.shape_cast %dot_general3A_161 : vector<64x64xf32> to vector<1x64x64xf32>
    tpu.vector_store %arg2[%swap3A_162, %swap3A_163, %swap3A_164], %swap3A_167 {strides = array<i32>} : memref<1x512x64xf32, #tpu.memory_space<vmem>>, vector<1x64x64xf32>,
    %eq3A_168 = arith.constant 5 : i32
    %eq3A_169 = vector.broadcast %eq3A_168 : i32 to vector<512x512xi32>
    %eq3A_170 = arith.cmpi eq, %add3A_61, %eq3A_169 : vector<512x512xi32>
    %jit3A_171 = arith.constant 0.000000e+00 : f32
    %broadcast_in_dim3A_172 = vector.broadcast %jit3A_171 : f32 to vector<512x512xf32>
    %select_n3A_173 = arith.select %eq3A_170, %sqrt3A, %broadcast_in_dim3A_172 : vector<512x512xi1>, vector<512x512xf32>
    %dot_general3A_174 = arith.constant dense<0.000000e+00> : vector<64x512xf32>
    %dot_general3A_175 = tpu.matmul %convert_element_type3A_89, %select_n3A_173, %dot_general3A_174 {dimension_numbers = #tpu.dot_dimension_numbers<[1], [0], [0], [1], [0, 0, 1, 1], [], []>, transpose_lhs_hint = false} : vector<64x512xf32>, vector<512x512xf32>, vector<64x512xf32> -> vector<64x512xf32>
    %dot_general3A_176 = arith.constant dense<0.000000e+00> : vector<64x64xf32>
    %dot_general3A_177 = tpu.matmul %dot_general3A_175, %convert_element_type3A_89, %dot_general3A_176 {dimension_numbers = #tpu.dot_dimension_numbers<[1], [1], [0], [0], [0, 0, 1, 0], [], []>, transpose_lhs_hint = false} : vector<64x512xf32>, vector<64x512xf32>, vector<64x64xf32> -> vector<64x64xf32>
    %swap3A_178 = arith.constant 0 : index
    %swap3A_179 = arith.constant 320 : index
    %swap3A_180 = arith.constant 0 : index
    %swap3A_181 = vector.load %arg2[%swap3A_178, %swap3A_179, %swap3A_180] : memref<1x512x64xf32, #tpu.memory_space<vmem>>, vector<1x64x64xf32>
    %swap3A_182 = vector.shape_cast %swap3A_181 : vector<1x64x64xf32> to vector<64x64xf32>
    %swap3A_183 = vector.shape_cast %dot_general3A_177 : vector<64x64xf32> to vector<1x64x64xf32>
    tpu.vector_store %arg2[%swap3A_178, %swap3A_179, %swap3A_180], %swap3A_183 {strides = array<i32>} : memref<1x512x64xf32, #tpu.memory_space<vmem>>, vector<1x64x64xf32>,
    %eq3A_184 = arith.constant 6 : i32
    %eq3A_185 = vector.broadcast %eq3A_184 : i32 to vector<512x512xi32>
    %eq3A_186 = arith.cmpi eq, %add3A_61, %eq3A_185 : vector<512x512xi32>
    %jit3A_187 = arith.constant 0.000000e+00 : f32
    %broadcast_in_dim3A_188 = vector.broadcast %jit3A_187 : f32 to vector<512x512xf32>
    %select_n3A_189 = arith.select %eq3A_186, %sqrt3A, %broadcast_in_dim3A_188 : vector<512x512xi1>, vector<512x512xf32>
    %dot_general3A_190 = arith.constant dense<0.000000e+00> : vector<64x512xf32>
    %dot_general3A_191 = tpu.matmul %convert_element_type3A_89, %select_n3A_189, %dot_general3A_190 {dimension_numbers = #tpu.dot_dimension_numbers<[1], [0], [0], [1], [0, 0, 1, 1], [], []>, transpose_lhs_hint = false} : vector<64x512xf32>, vector<512x512xf32>, vector<64x512xf32> -> vector<64x512xf32>
    %dot_general3A_192 = arith.constant dense<0.000000e+00> : vector<64x64xf32>
    %dot_general3A_193 = tpu.matmul %dot_general3A_191, %convert_element_type3A_89, %dot_general3A_192 {dimension_numbers = #tpu.dot_dimension_numbers<[1], [1], [0], [0], [0, 0, 1, 0], [], []>, transpose_lhs_hint = false} : vector<64x512xf32>, vector<64x512xf32>, vector<64x64xf32> -> vector<64x64xf32>
    %swap3A_194 = arith.constant 0 : index
    %swap3A_195 = arith.constant 384 : index
    %swap3A_196 = arith.constant 0 : index
    %swap3A_197 = vector.load %arg2[%swap3A_194, %swap3A_195, %swap3A_196] : memref<1x512x64xf32, #tpu.memory_space<vmem>>, vector<1x64x64xf32>
    %swap3A_198 = vector.shape_cast %swap3A_197 : vector<1x64x64xf32> to vector<64x64xf32>
    %swap3A_199 = vector.shape_cast %dot_general3A_193 : vector<64x64xf32> to vector<1x64x64xf32>
    tpu.vector_store %arg2[%swap3A_194, %swap3A_195, %swap3A_196], %swap3A_199 {strides = array<i32>} : memref<1x512x64xf32, #tpu.memory_space<vmem>>, vector<1x64x64xf32>,
    %eq3A_200 = arith.constant 7 : i32
    %eq3A_201 = vector.broadcast %eq3A_200 : i32 to vector<512x512xi32>
    %eq3A_202 = arith.cmpi eq, %add3A_61, %eq3A_201 : vector<512x512xi32>
    %jit3A_203 = arith.constant 0.000000e+00 : f32
    %broadcast_in_dim3A_204 = vector.broadcast %jit3A_203 : f32 to vector<512x512xf32>
    %select_n3A_205 = arith.select %eq3A_202, %sqrt3A, %broadcast_in_dim3A_204 : vector<512x512xi1>, vector<512x512xf32>
    %dot_general3A_206 = arith.constant dense<0.000000e+00> : vector<64x512xf32>
    %dot_general3A_207 = tpu.matmul %convert_element_type3A_89, %select_n3A_205, %dot_general3A_206 {dimension_numbers = #tpu.dot_dimension_numbers<[1], [0], [0], [1], [0, 0, 1, 1], [], []>, transpose_lhs_hint = false} : vector<64x512xf32>, vector<512x512xf32>, vector<64x512xf32> -> vector<64x512xf32>
    %dot_general3A_208 = arith.constant dense<0.000000e+00> : vector<64x64xf32>
    %dot_general3A_209 = tpu.matmul %dot_general3A_207, %convert_element_type3A_89, %dot_general3A_208 {dimension_numbers = #tpu.dot_dimension_numbers<[1], [1], [0], [0], [0, 0, 1, 0], [], []>, transpose_lhs_hint = false} : vector<64x512xf32>, vector<64x512xf32>, vector<64x64xf32> -> vector<64x64xf32>
    %swap3A_210 = arith.constant 0 : index
    %swap3A_211 = arith.constant 448 : index
    %swap3A_212 = arith.constant 0 : index
    %swap3A_213 = vector.load %arg2[%swap3A_210, %swap3A_211, %swap3A_212] : memref<1x512x64xf32, #tpu.memory_space<vmem>>, vector<1x64x64xf32>
    %swap3A_214 = vector.shape_cast %swap3A_213 : vector<1x64x64xf32> to vector<64x64xf32>
    %swap3A_215 = vector.shape_cast %dot_general3A_209 : vector<64x64xf32> to vector<1x64x64xf32>
    tpu.vector_store %arg2[%swap3A_210, %swap3A_211, %swap3A_212], %swap3A_215 {strides = array<i32>} : memref<1x512x64xf32, #tpu.memory_space<vmem>>, vector<1x64x64xf32>,
    return
  }
  func.func @transform_0(%arg0: i32) -> (i32, i32, i32, i32) {
    %c0_i32 = arith.constant 0 : i32
    %c0_i32_0 = arith.constant 0 : i32
    %c0_i32_1 = arith.constant 0 : i32
    %c0_i32_2 = arith.constant 0 : i32
    return %arg0, %c0_i32, %c0_i32_0, %c0_i32_1 : i32, i32, i32, i32
  }
  func.func @transform_1(%arg0: i32) -> (i32, i32, i32) {
    %c0_i32 = arith.constant 0 : i32
    %c0_i32_0 = arith.constant 0 : i32
    %c0_i32_1 = arith.constant 0 : i32
    return %arg0, %c0_i32, %c0_i32_0 : i32, i32, i32
  }
}

module attributes {stable_mosaic.version = 14 : i64} {
  func.func @_assign_kernel(%arg0: memref<8x256x128xf32, #tpu.memory_space<vmem>>, %arg1: memref<128x128xf32, #tpu.memory_space<vmem>>, %arg2: memref<128x1xf32, #tpu.memory_space<vmem>>, %arg3: memref<8x256x128xf32, #tpu.memory_space<vmem>>, %arg4: memref<8x256x1xi32, #tpu.memory_space<vmem>>, %arg5: memref<8x128x1xf32, #tpu.memory_space<vmem>>) attributes {dimension_semantics = [], scalar_prefetch = 0 : i64, scratch_operands = 0 : i64, tpu.core_type = #tpu.core_type<tc>} {
    %get3A = arith.constant 0 : index
    %get3A_0 = arith.constant 0 : index
    %get3A_1 = vector.load %arg1[%get3A, %get3A_0] : memref<128x128xf32, #tpu.memory_space<vmem>>, vector<128x128xf32>
    %get3A_2 = arith.constant 0 : index
    %get3A_3 = arith.constant 0 : index
    %get3A_4 = vector.load %arg2[%get3A_2, %get3A_3] : memref<128x1xf32, #tpu.memory_space<vmem>>, vector<128x1xf32>
    %div3A = vector.broadcast %get3A_4 : vector<128x1xf32> to vector<128x128xf32>
    %div3A_5 = arith.divf %get3A_1, %div3A : vector<128x128xf32>
    %broadcast_in_dim3A = arith.constant 1.000000e+00 : f32
    %broadcast_in_dim3A_6 = vector.broadcast %broadcast_in_dim3A : f32 to vector<1x128xf32>
    %mul3A = arith.mulf %div3A_5, %div3A_5 : vector<128x128xf32>
    %dot_general3A = arith.constant dense<0.000000e+00> : vector<1x128xf32>
    %dot_general3A_7 = tpu.matmul %broadcast_in_dim3A_6, %mul3A, %dot_general3A {dimension_numbers = #tpu.dot_dimension_numbers<[1], [1], [0], [0], [0, 0, 1, 0], [], []>, transpose_lhs_hint = false} : vector<1x128xf32>, vector<128x128xf32>, vector<1x128xf32> -> vector<1x128xf32>
    %broadcast_in_dim3A_8 = arith.constant 1.000000e+00 : f32
    %broadcast_in_dim3A_9 = vector.broadcast %broadcast_in_dim3A_8 : f32 to vector<256x1xf32>
    %iota3A = tpu.iota {dimensions = array<i32: 1>} : vector<256x128xi32>
    %get3A_10 = arith.constant 0 : index
    %get3A_11 = arith.constant 0 : index
    %get3A_12 = arith.constant 0 : index
    %get3A_13 = vector.load %arg0[%get3A_10, %get3A_11, %get3A_12] : memref<8x256x128xf32, #tpu.memory_space<vmem>>, vector<1x256x128xf32>
    %get3A_14 = vector.shape_cast %get3A_13 : vector<1x256x128xf32> to vector<256x128xf32>
    %mul3A_15 = arith.mulf %get3A_14, %get3A_14 : vector<256x128xf32>
    %reduce_sum3A = arith.constant dense<0.000000e+00> : vector<256xf32>
    %reduce_sum3A_16 = vector.multi_reduction <add>, %mul3A_15, %reduce_sum3A [1] : vector<256x128xf32> to vector<256xf32>
    %broadcast_in_dim3A_17 = vector.shape_cast %reduce_sum3A_16 : vector<256xf32> to vector<256x1xf32>
    %sqrt3A = math.sqrt %broadcast_in_dim3A_17 : vector<256x1xf32>
    %add3A = arith.constant 9.99999993E-9 : f32
    %add3A_18 = vector.broadcast %add3A : f32 to vector<256x1xf32>
    %add3A_19 = arith.addf %sqrt3A, %add3A_18 : vector<256x1xf32>
    %div3A_20 = vector.broadcast %add3A_19 : vector<256x1xf32> to vector<256x128xf32>
    %div3A_21 = arith.divf %get3A_14, %div3A_20 : vector<256x128xf32>
    %swap3A = arith.constant 0 : index
    %swap3A_22 = arith.constant 0 : index
    %swap3A_23 = arith.constant 0 : index
    %swap3A_24 = vector.load %arg3[%swap3A, %swap3A_22, %swap3A_23] : memref<8x256x128xf32, #tpu.memory_space<vmem>>, vector<1x256x128xf32>
    %swap3A_25 = vector.shape_cast %swap3A_24 : vector<1x256x128xf32> to vector<256x128xf32>
    %swap3A_26 = vector.shape_cast %div3A_21 : vector<256x128xf32> to vector<1x256x128xf32>
    tpu.vector_store %arg3[%swap3A, %swap3A_22, %swap3A_23], %swap3A_26 {strides = array<i32>} : memref<8x256x128xf32, #tpu.memory_space<vmem>>, vector<1x256x128xf32>,
    %dot_general3A_27 = arith.constant dense<0.000000e+00> : vector<256x128xf32>
    %dot_general3A_28 = tpu.matmul %div3A_21, %div3A_5, %dot_general3A_27 {dimension_numbers = #tpu.dot_dimension_numbers<[1], [1], [0], [0], [0, 0, 1, 0], [], []>, transpose_lhs_hint = false} : vector<256x128xf32>, vector<128x128xf32>, vector<256x128xf32> -> vector<256x128xf32>
    %mul3A_29 = arith.constant 2.000000e+00 : f32
    %mul3A_30 = vector.broadcast %mul3A_29 : f32 to vector<256x128xf32>
    %mul3A_31 = arith.mulf %mul3A_30, %dot_general3A_28 : vector<256x128xf32>
    %sub3A = vector.broadcast %dot_general3A_7 : vector<1x128xf32> to vector<256x128xf32>
    %sub3A_32 = arith.subf %sub3A, %mul3A_31 : vector<256x128xf32>
    %reduce_min3A = arith.constant dense<0x7F800000> : vector<256xf32>
    %reduce_min3A_33 = vector.multi_reduction <minimumf>, %sub3A_32, %reduce_min3A [1] : vector<256x128xf32> to vector<256xf32>
    %broadcast_in_dim3A_34 = vector.shape_cast %reduce_min3A_33 : vector<256xf32> to vector<256x1xf32>
    %eq3A = vector.broadcast %broadcast_in_dim3A_34 : vector<256x1xf32> to vector<256x128xf32>
    %eq3A_35 = arith.cmpf oeq, %sub3A_32, %eq3A : vector<256x128xf32>
    %jit3A = arith.constant 129 : i32
    %broadcast_in_dim3A_36 = vector.broadcast %jit3A : i32 to vector<256x128xi32>
    %select_n3A = arith.select %eq3A_35, %iota3A, %broadcast_in_dim3A_36 : vector<256x128xi1>, vector<256x128xi32>
    %reduce_min3A_37 = arith.constant dense<2147483647> : vector<256xi32>
    %reduce_min3A_38 = vector.multi_reduction <minsi>, %select_n3A, %reduce_min3A_37 [1] : vector<256x128xi32> to vector<256xi32>
    %broadcast_in_dim3A_39 = vector.shape_cast %reduce_min3A_38 : vector<256xi32> to vector<256x1xi32>
    %add3A_40 = arith.constant 0 : i32
    %add3A_41 = vector.broadcast %add3A_40 : i32 to vector<256x1xi32>
    %add3A_42 = arith.addi %broadcast_in_dim3A_39, %add3A_41 : vector<256x1xi32>
    %swap3A_43 = arith.constant 0 : index
    %swap3A_44 = arith.constant 0 : index
    %swap3A_45 = arith.constant 0 : index
    %swap3A_46 = vector.load %arg4[%swap3A_43, %swap3A_44, %swap3A_45] : memref<8x256x1xi32, #tpu.memory_space<vmem>>, vector<1x256x1xi32>
    %swap3A_47 = vector.shape_cast %swap3A_46 : vector<1x256x1xi32> to vector<256x1xi32>
    %swap3A_48 = vector.shape_cast %add3A_42 : vector<256x1xi32> to vector<1x256x1xi32>
    tpu.vector_store %arg4[%swap3A_43, %swap3A_44, %swap3A_45], %swap3A_48 {strides = array<i32>} : memref<8x256x1xi32, #tpu.memory_space<vmem>>, vector<1x256x1xi32>,
    %eq3A_49 = vector.broadcast %broadcast_in_dim3A_39 : vector<256x1xi32> to vector<256x128xi32>
    %eq3A_50 = arith.cmpi eq, %eq3A_49, %iota3A : vector<256x128xi32>
    %convert_element_type3A = arith.extui %eq3A_50 : vector<256x128xi1> to vector<256x128xi32>
    %convert_element_type3A_51 = arith.sitofp %convert_element_type3A : vector<256x128xi32> to vector<256x128xf32>
    %dot_general3A_52 = arith.constant dense<0.000000e+00> : vector<128x1xf32>
    %dot_general3A_53 = tpu.matmul %convert_element_type3A_51, %broadcast_in_dim3A_9, %dot_general3A_52 {dimension_numbers = #tpu.dot_dimension_numbers<[0], [0], [1], [1], [0, 1, 1, 1], [], []>, transpose_lhs_hint = false} : vector<256x128xf32>, vector<256x1xf32>, vector<128x1xf32> -> vector<128x1xf32>
    %swap3A_54 = arith.constant 0 : index
    %swap3A_55 = arith.constant 0 : index
    %swap3A_56 = arith.constant 0 : index
    %swap3A_57 = vector.load %arg5[%swap3A_54, %swap3A_55, %swap3A_56] : memref<8x128x1xf32, #tpu.memory_space<vmem>>, vector<1x128x1xf32>
    %swap3A_58 = vector.shape_cast %swap3A_57 : vector<1x128x1xf32> to vector<128x1xf32>
    %swap3A_59 = vector.shape_cast %dot_general3A_53 : vector<128x1xf32> to vector<1x128x1xf32>
    tpu.vector_store %arg5[%swap3A_54, %swap3A_55, %swap3A_56], %swap3A_59 {strides = array<i32>} : memref<8x128x1xf32, #tpu.memory_space<vmem>>, vector<1x128x1xf32>,
    %get3A_60 = arith.constant 1 : index
    %get3A_61 = arith.constant 0 : index
    %get3A_62 = arith.constant 0 : index
    %get3A_63 = vector.load %arg0[%get3A_60, %get3A_61, %get3A_62] : memref<8x256x128xf32, #tpu.memory_space<vmem>>, vector<1x256x128xf32>
    %get3A_64 = vector.shape_cast %get3A_63 : vector<1x256x128xf32> to vector<256x128xf32>
    %mul3A_65 = arith.mulf %get3A_64, %get3A_64 : vector<256x128xf32>
    %reduce_sum3A_66 = arith.constant dense<0.000000e+00> : vector<256xf32>
    %reduce_sum3A_67 = vector.multi_reduction <add>, %mul3A_65, %reduce_sum3A_66 [1] : vector<256x128xf32> to vector<256xf32>
    %broadcast_in_dim3A_68 = vector.shape_cast %reduce_sum3A_67 : vector<256xf32> to vector<256x1xf32>
    %sqrt3A_69 = math.sqrt %broadcast_in_dim3A_68 : vector<256x1xf32>
    %add3A_70 = arith.constant 9.99999993E-9 : f32
    %add3A_71 = vector.broadcast %add3A_70 : f32 to vector<256x1xf32>
    %add3A_72 = arith.addf %sqrt3A_69, %add3A_71 : vector<256x1xf32>
    %div3A_73 = vector.broadcast %add3A_72 : vector<256x1xf32> to vector<256x128xf32>
    %div3A_74 = arith.divf %get3A_64, %div3A_73 : vector<256x128xf32>
    %swap3A_75 = arith.constant 1 : index
    %swap3A_76 = arith.constant 0 : index
    %swap3A_77 = arith.constant 0 : index
    %swap3A_78 = vector.load %arg3[%swap3A_75, %swap3A_76, %swap3A_77] : memref<8x256x128xf32, #tpu.memory_space<vmem>>, vector<1x256x128xf32>
    %swap3A_79 = vector.shape_cast %swap3A_78 : vector<1x256x128xf32> to vector<256x128xf32>
    %swap3A_80 = vector.shape_cast %div3A_74 : vector<256x128xf32> to vector<1x256x128xf32>
    tpu.vector_store %arg3[%swap3A_75, %swap3A_76, %swap3A_77], %swap3A_80 {strides = array<i32>} : memref<8x256x128xf32, #tpu.memory_space<vmem>>, vector<1x256x128xf32>,
    %dot_general3A_81 = arith.constant dense<0.000000e+00> : vector<256x128xf32>
    %dot_general3A_82 = tpu.matmul %div3A_74, %div3A_5, %dot_general3A_81 {dimension_numbers = #tpu.dot_dimension_numbers<[1], [1], [0], [0], [0, 0, 1, 0], [], []>, transpose_lhs_hint = false} : vector<256x128xf32>, vector<128x128xf32>, vector<256x128xf32> -> vector<256x128xf32>
    %mul3A_83 = arith.constant 2.000000e+00 : f32
    %mul3A_84 = vector.broadcast %mul3A_83 : f32 to vector<256x128xf32>
    %mul3A_85 = arith.mulf %mul3A_84, %dot_general3A_82 : vector<256x128xf32>
    %sub3A_86 = vector.broadcast %dot_general3A_7 : vector<1x128xf32> to vector<256x128xf32>
    %sub3A_87 = arith.subf %sub3A_86, %mul3A_85 : vector<256x128xf32>
    %reduce_min3A_88 = arith.constant dense<0x7F800000> : vector<256xf32>
    %reduce_min3A_89 = vector.multi_reduction <minimumf>, %sub3A_87, %reduce_min3A_88 [1] : vector<256x128xf32> to vector<256xf32>
    %broadcast_in_dim3A_90 = vector.shape_cast %reduce_min3A_89 : vector<256xf32> to vector<256x1xf32>
    %eq3A_91 = vector.broadcast %broadcast_in_dim3A_90 : vector<256x1xf32> to vector<256x128xf32>
    %eq3A_92 = arith.cmpf oeq, %sub3A_87, %eq3A_91 : vector<256x128xf32>
    %jit3A_93 = arith.constant 129 : i32
    %broadcast_in_dim3A_94 = vector.broadcast %jit3A_93 : i32 to vector<256x128xi32>
    %select_n3A_95 = arith.select %eq3A_92, %iota3A, %broadcast_in_dim3A_94 : vector<256x128xi1>, vector<256x128xi32>
    %reduce_min3A_96 = arith.constant dense<2147483647> : vector<256xi32>
    %reduce_min3A_97 = vector.multi_reduction <minsi>, %select_n3A_95, %reduce_min3A_96 [1] : vector<256x128xi32> to vector<256xi32>
    %broadcast_in_dim3A_98 = vector.shape_cast %reduce_min3A_97 : vector<256xi32> to vector<256x1xi32>
    %add3A_99 = arith.constant 128 : i32
    %add3A_100 = vector.broadcast %add3A_99 : i32 to vector<256x1xi32>
    %add3A_101 = arith.addi %broadcast_in_dim3A_98, %add3A_100 : vector<256x1xi32>
    %swap3A_102 = arith.constant 1 : index
    %swap3A_103 = arith.constant 0 : index
    %swap3A_104 = arith.constant 0 : index
    %swap3A_105 = vector.load %arg4[%swap3A_102, %swap3A_103, %swap3A_104] : memref<8x256x1xi32, #tpu.memory_space<vmem>>, vector<1x256x1xi32>
    %swap3A_106 = vector.shape_cast %swap3A_105 : vector<1x256x1xi32> to vector<256x1xi32>
    %swap3A_107 = vector.shape_cast %add3A_101 : vector<256x1xi32> to vector<1x256x1xi32>
    tpu.vector_store %arg4[%swap3A_102, %swap3A_103, %swap3A_104], %swap3A_107 {strides = array<i32>} : memref<8x256x1xi32, #tpu.memory_space<vmem>>, vector<1x256x1xi32>,
    %eq3A_108 = vector.broadcast %broadcast_in_dim3A_98 : vector<256x1xi32> to vector<256x128xi32>
    %eq3A_109 = arith.cmpi eq, %eq3A_108, %iota3A : vector<256x128xi32>
    %convert_element_type3A_110 = arith.extui %eq3A_109 : vector<256x128xi1> to vector<256x128xi32>
    %convert_element_type3A_111 = arith.sitofp %convert_element_type3A_110 : vector<256x128xi32> to vector<256x128xf32>
    %dot_general3A_112 = arith.constant dense<0.000000e+00> : vector<128x1xf32>
    %dot_general3A_113 = tpu.matmul %convert_element_type3A_111, %broadcast_in_dim3A_9, %dot_general3A_112 {dimension_numbers = #tpu.dot_dimension_numbers<[0], [0], [1], [1], [0, 1, 1, 1], [], []>, transpose_lhs_hint = false} : vector<256x128xf32>, vector<256x1xf32>, vector<128x1xf32> -> vector<128x1xf32>
    %swap3A_114 = arith.constant 1 : index
    %swap3A_115 = arith.constant 0 : index
    %swap3A_116 = arith.constant 0 : index
    %swap3A_117 = vector.load %arg5[%swap3A_114, %swap3A_115, %swap3A_116] : memref<8x128x1xf32, #tpu.memory_space<vmem>>, vector<1x128x1xf32>
    %swap3A_118 = vector.shape_cast %swap3A_117 : vector<1x128x1xf32> to vector<128x1xf32>
    %swap3A_119 = vector.shape_cast %dot_general3A_113 : vector<128x1xf32> to vector<1x128x1xf32>
    tpu.vector_store %arg5[%swap3A_114, %swap3A_115, %swap3A_116], %swap3A_119 {strides = array<i32>} : memref<8x128x1xf32, #tpu.memory_space<vmem>>, vector<1x128x1xf32>,
    %get3A_120 = arith.constant 2 : index
    %get3A_121 = arith.constant 0 : index
    %get3A_122 = arith.constant 0 : index
    %get3A_123 = vector.load %arg0[%get3A_120, %get3A_121, %get3A_122] : memref<8x256x128xf32, #tpu.memory_space<vmem>>, vector<1x256x128xf32>
    %get3A_124 = vector.shape_cast %get3A_123 : vector<1x256x128xf32> to vector<256x128xf32>
    %mul3A_125 = arith.mulf %get3A_124, %get3A_124 : vector<256x128xf32>
    %reduce_sum3A_126 = arith.constant dense<0.000000e+00> : vector<256xf32>
    %reduce_sum3A_127 = vector.multi_reduction <add>, %mul3A_125, %reduce_sum3A_126 [1] : vector<256x128xf32> to vector<256xf32>
    %broadcast_in_dim3A_128 = vector.shape_cast %reduce_sum3A_127 : vector<256xf32> to vector<256x1xf32>
    %sqrt3A_129 = math.sqrt %broadcast_in_dim3A_128 : vector<256x1xf32>
    %add3A_130 = arith.constant 9.99999993E-9 : f32
    %add3A_131 = vector.broadcast %add3A_130 : f32 to vector<256x1xf32>
    %add3A_132 = arith.addf %sqrt3A_129, %add3A_131 : vector<256x1xf32>
    %div3A_133 = vector.broadcast %add3A_132 : vector<256x1xf32> to vector<256x128xf32>
    %div3A_134 = arith.divf %get3A_124, %div3A_133 : vector<256x128xf32>
    %swap3A_135 = arith.constant 2 : index
    %swap3A_136 = arith.constant 0 : index
    %swap3A_137 = arith.constant 0 : index
    %swap3A_138 = vector.load %arg3[%swap3A_135, %swap3A_136, %swap3A_137] : memref<8x256x128xf32, #tpu.memory_space<vmem>>, vector<1x256x128xf32>
    %swap3A_139 = vector.shape_cast %swap3A_138 : vector<1x256x128xf32> to vector<256x128xf32>
    %swap3A_140 = vector.shape_cast %div3A_134 : vector<256x128xf32> to vector<1x256x128xf32>
    tpu.vector_store %arg3[%swap3A_135, %swap3A_136, %swap3A_137], %swap3A_140 {strides = array<i32>} : memref<8x256x128xf32, #tpu.memory_space<vmem>>, vector<1x256x128xf32>,
    %dot_general3A_141 = arith.constant dense<0.000000e+00> : vector<256x128xf32>
    %dot_general3A_142 = tpu.matmul %div3A_134, %div3A_5, %dot_general3A_141 {dimension_numbers = #tpu.dot_dimension_numbers<[1], [1], [0], [0], [0, 0, 1, 0], [], []>, transpose_lhs_hint = false} : vector<256x128xf32>, vector<128x128xf32>, vector<256x128xf32> -> vector<256x128xf32>
    %mul3A_143 = arith.constant 2.000000e+00 : f32
    %mul3A_144 = vector.broadcast %mul3A_143 : f32 to vector<256x128xf32>
    %mul3A_145 = arith.mulf %mul3A_144, %dot_general3A_142 : vector<256x128xf32>
    %sub3A_146 = vector.broadcast %dot_general3A_7 : vector<1x128xf32> to vector<256x128xf32>
    %sub3A_147 = arith.subf %sub3A_146, %mul3A_145 : vector<256x128xf32>
    %reduce_min3A_148 = arith.constant dense<0x7F800000> : vector<256xf32>
    %reduce_min3A_149 = vector.multi_reduction <minimumf>, %sub3A_147, %reduce_min3A_148 [1] : vector<256x128xf32> to vector<256xf32>
    %broadcast_in_dim3A_150 = vector.shape_cast %reduce_min3A_149 : vector<256xf32> to vector<256x1xf32>
    %eq3A_151 = vector.broadcast %broadcast_in_dim3A_150 : vector<256x1xf32> to vector<256x128xf32>
    %eq3A_152 = arith.cmpf oeq, %sub3A_147, %eq3A_151 : vector<256x128xf32>
    %jit3A_153 = arith.constant 129 : i32
    %broadcast_in_dim3A_154 = vector.broadcast %jit3A_153 : i32 to vector<256x128xi32>
    %select_n3A_155 = arith.select %eq3A_152, %iota3A, %broadcast_in_dim3A_154 : vector<256x128xi1>, vector<256x128xi32>
    %reduce_min3A_156 = arith.constant dense<2147483647> : vector<256xi32>
    %reduce_min3A_157 = vector.multi_reduction <minsi>, %select_n3A_155, %reduce_min3A_156 [1] : vector<256x128xi32> to vector<256xi32>
    %broadcast_in_dim3A_158 = vector.shape_cast %reduce_min3A_157 : vector<256xi32> to vector<256x1xi32>
    %add3A_159 = arith.constant 256 : i32
    %add3A_160 = vector.broadcast %add3A_159 : i32 to vector<256x1xi32>
    %add3A_161 = arith.addi %broadcast_in_dim3A_158, %add3A_160 : vector<256x1xi32>
    %swap3A_162 = arith.constant 2 : index
    %swap3A_163 = arith.constant 0 : index
    %swap3A_164 = arith.constant 0 : index
    %swap3A_165 = vector.load %arg4[%swap3A_162, %swap3A_163, %swap3A_164] : memref<8x256x1xi32, #tpu.memory_space<vmem>>, vector<1x256x1xi32>
    %swap3A_166 = vector.shape_cast %swap3A_165 : vector<1x256x1xi32> to vector<256x1xi32>
    %swap3A_167 = vector.shape_cast %add3A_161 : vector<256x1xi32> to vector<1x256x1xi32>
    tpu.vector_store %arg4[%swap3A_162, %swap3A_163, %swap3A_164], %swap3A_167 {strides = array<i32>} : memref<8x256x1xi32, #tpu.memory_space<vmem>>, vector<1x256x1xi32>,
    %eq3A_168 = vector.broadcast %broadcast_in_dim3A_158 : vector<256x1xi32> to vector<256x128xi32>
    %eq3A_169 = arith.cmpi eq, %eq3A_168, %iota3A : vector<256x128xi32>
    %convert_element_type3A_170 = arith.extui %eq3A_169 : vector<256x128xi1> to vector<256x128xi32>
    %convert_element_type3A_171 = arith.sitofp %convert_element_type3A_170 : vector<256x128xi32> to vector<256x128xf32>
    %dot_general3A_172 = arith.constant dense<0.000000e+00> : vector<128x1xf32>
    %dot_general3A_173 = tpu.matmul %convert_element_type3A_171, %broadcast_in_dim3A_9, %dot_general3A_172 {dimension_numbers = #tpu.dot_dimension_numbers<[0], [0], [1], [1], [0, 1, 1, 1], [], []>, transpose_lhs_hint = false} : vector<256x128xf32>, vector<256x1xf32>, vector<128x1xf32> -> vector<128x1xf32>
    %swap3A_174 = arith.constant 2 : index
    %swap3A_175 = arith.constant 0 : index
    %swap3A_176 = arith.constant 0 : index
    %swap3A_177 = vector.load %arg5[%swap3A_174, %swap3A_175, %swap3A_176] : memref<8x128x1xf32, #tpu.memory_space<vmem>>, vector<1x128x1xf32>
    %swap3A_178 = vector.shape_cast %swap3A_177 : vector<1x128x1xf32> to vector<128x1xf32>
    %swap3A_179 = vector.shape_cast %dot_general3A_173 : vector<128x1xf32> to vector<1x128x1xf32>
    tpu.vector_store %arg5[%swap3A_174, %swap3A_175, %swap3A_176], %swap3A_179 {strides = array<i32>} : memref<8x128x1xf32, #tpu.memory_space<vmem>>, vector<1x128x1xf32>,
    %get3A_180 = arith.constant 3 : index
    %get3A_181 = arith.constant 0 : index
    %get3A_182 = arith.constant 0 : index
    %get3A_183 = vector.load %arg0[%get3A_180, %get3A_181, %get3A_182] : memref<8x256x128xf32, #tpu.memory_space<vmem>>, vector<1x256x128xf32>
    %get3A_184 = vector.shape_cast %get3A_183 : vector<1x256x128xf32> to vector<256x128xf32>
    %mul3A_185 = arith.mulf %get3A_184, %get3A_184 : vector<256x128xf32>
    %reduce_sum3A_186 = arith.constant dense<0.000000e+00> : vector<256xf32>
    %reduce_sum3A_187 = vector.multi_reduction <add>, %mul3A_185, %reduce_sum3A_186 [1] : vector<256x128xf32> to vector<256xf32>
    %broadcast_in_dim3A_188 = vector.shape_cast %reduce_sum3A_187 : vector<256xf32> to vector<256x1xf32>
    %sqrt3A_189 = math.sqrt %broadcast_in_dim3A_188 : vector<256x1xf32>
    %add3A_190 = arith.constant 9.99999993E-9 : f32
    %add3A_191 = vector.broadcast %add3A_190 : f32 to vector<256x1xf32>
    %add3A_192 = arith.addf %sqrt3A_189, %add3A_191 : vector<256x1xf32>
    %div3A_193 = vector.broadcast %add3A_192 : vector<256x1xf32> to vector<256x128xf32>
    %div3A_194 = arith.divf %get3A_184, %div3A_193 : vector<256x128xf32>
    %swap3A_195 = arith.constant 3 : index
    %swap3A_196 = arith.constant 0 : index
    %swap3A_197 = arith.constant 0 : index
    %swap3A_198 = vector.load %arg3[%swap3A_195, %swap3A_196, %swap3A_197] : memref<8x256x128xf32, #tpu.memory_space<vmem>>, vector<1x256x128xf32>
    %swap3A_199 = vector.shape_cast %swap3A_198 : vector<1x256x128xf32> to vector<256x128xf32>
    %swap3A_200 = vector.shape_cast %div3A_194 : vector<256x128xf32> to vector<1x256x128xf32>
    tpu.vector_store %arg3[%swap3A_195, %swap3A_196, %swap3A_197], %swap3A_200 {strides = array<i32>} : memref<8x256x128xf32, #tpu.memory_space<vmem>>, vector<1x256x128xf32>,
    %dot_general3A_201 = arith.constant dense<0.000000e+00> : vector<256x128xf32>
    %dot_general3A_202 = tpu.matmul %div3A_194, %div3A_5, %dot_general3A_201 {dimension_numbers = #tpu.dot_dimension_numbers<[1], [1], [0], [0], [0, 0, 1, 0], [], []>, transpose_lhs_hint = false} : vector<256x128xf32>, vector<128x128xf32>, vector<256x128xf32> -> vector<256x128xf32>
    %mul3A_203 = arith.constant 2.000000e+00 : f32
    %mul3A_204 = vector.broadcast %mul3A_203 : f32 to vector<256x128xf32>
    %mul3A_205 = arith.mulf %mul3A_204, %dot_general3A_202 : vector<256x128xf32>
    %sub3A_206 = vector.broadcast %dot_general3A_7 : vector<1x128xf32> to vector<256x128xf32>
    %sub3A_207 = arith.subf %sub3A_206, %mul3A_205 : vector<256x128xf32>
    %reduce_min3A_208 = arith.constant dense<0x7F800000> : vector<256xf32>
    %reduce_min3A_209 = vector.multi_reduction <minimumf>, %sub3A_207, %reduce_min3A_208 [1] : vector<256x128xf32> to vector<256xf32>
    %broadcast_in_dim3A_210 = vector.shape_cast %reduce_min3A_209 : vector<256xf32> to vector<256x1xf32>
    %eq3A_211 = vector.broadcast %broadcast_in_dim3A_210 : vector<256x1xf32> to vector<256x128xf32>
    %eq3A_212 = arith.cmpf oeq, %sub3A_207, %eq3A_211 : vector<256x128xf32>
    %jit3A_213 = arith.constant 129 : i32
    %broadcast_in_dim3A_214 = vector.broadcast %jit3A_213 : i32 to vector<256x128xi32>
    %select_n3A_215 = arith.select %eq3A_212, %iota3A, %broadcast_in_dim3A_214 : vector<256x128xi1>, vector<256x128xi32>
    %reduce_min3A_216 = arith.constant dense<2147483647> : vector<256xi32>
    %reduce_min3A_217 = vector.multi_reduction <minsi>, %select_n3A_215, %reduce_min3A_216 [1] : vector<256x128xi32> to vector<256xi32>
    %broadcast_in_dim3A_218 = vector.shape_cast %reduce_min3A_217 : vector<256xi32> to vector<256x1xi32>
    %add3A_219 = arith.constant 384 : i32
    %add3A_220 = vector.broadcast %add3A_219 : i32 to vector<256x1xi32>
    %add3A_221 = arith.addi %broadcast_in_dim3A_218, %add3A_220 : vector<256x1xi32>
    %swap3A_222 = arith.constant 3 : index
    %swap3A_223 = arith.constant 0 : index
    %swap3A_224 = arith.constant 0 : index
    %swap3A_225 = vector.load %arg4[%swap3A_222, %swap3A_223, %swap3A_224] : memref<8x256x1xi32, #tpu.memory_space<vmem>>, vector<1x256x1xi32>
    %swap3A_226 = vector.shape_cast %swap3A_225 : vector<1x256x1xi32> to vector<256x1xi32>
    %swap3A_227 = vector.shape_cast %add3A_221 : vector<256x1xi32> to vector<1x256x1xi32>
    tpu.vector_store %arg4[%swap3A_222, %swap3A_223, %swap3A_224], %swap3A_227 {strides = array<i32>} : memref<8x256x1xi32, #tpu.memory_space<vmem>>, vector<1x256x1xi32>,
    %eq3A_228 = vector.broadcast %broadcast_in_dim3A_218 : vector<256x1xi32> to vector<256x128xi32>
    %eq3A_229 = arith.cmpi eq, %eq3A_228, %iota3A : vector<256x128xi32>
    %convert_element_type3A_230 = arith.extui %eq3A_229 : vector<256x128xi1> to vector<256x128xi32>
    %convert_element_type3A_231 = arith.sitofp %convert_element_type3A_230 : vector<256x128xi32> to vector<256x128xf32>
    %dot_general3A_232 = arith.constant dense<0.000000e+00> : vector<128x1xf32>
    %dot_general3A_233 = tpu.matmul %convert_element_type3A_231, %broadcast_in_dim3A_9, %dot_general3A_232 {dimension_numbers = #tpu.dot_dimension_numbers<[0], [0], [1], [1], [0, 1, 1, 1], [], []>, transpose_lhs_hint = false} : vector<256x128xf32>, vector<256x1xf32>, vector<128x1xf32> -> vector<128x1xf32>
    %swap3A_234 = arith.constant 3 : index
    %swap3A_235 = arith.constant 0 : index
    %swap3A_236 = arith.constant 0 : index
    %swap3A_237 = vector.load %arg5[%swap3A_234, %swap3A_235, %swap3A_236] : memref<8x128x1xf32, #tpu.memory_space<vmem>>, vector<1x128x1xf32>
    %swap3A_238 = vector.shape_cast %swap3A_237 : vector<1x128x1xf32> to vector<128x1xf32>
    %swap3A_239 = vector.shape_cast %dot_general3A_233 : vector<128x1xf32> to vector<1x128x1xf32>
    tpu.vector_store %arg5[%swap3A_234, %swap3A_235, %swap3A_236], %swap3A_239 {strides = array<i32>} : memref<8x128x1xf32, #tpu.memory_space<vmem>>, vector<1x128x1xf32>,
    %get3A_240 = arith.constant 4 : index
    %get3A_241 = arith.constant 0 : index
    %get3A_242 = arith.constant 0 : index
    %get3A_243 = vector.load %arg0[%get3A_240, %get3A_241, %get3A_242] : memref<8x256x128xf32, #tpu.memory_space<vmem>>, vector<1x256x128xf32>
    %get3A_244 = vector.shape_cast %get3A_243 : vector<1x256x128xf32> to vector<256x128xf32>
    %mul3A_245 = arith.mulf %get3A_244, %get3A_244 : vector<256x128xf32>
    %reduce_sum3A_246 = arith.constant dense<0.000000e+00> : vector<256xf32>
    %reduce_sum3A_247 = vector.multi_reduction <add>, %mul3A_245, %reduce_sum3A_246 [1] : vector<256x128xf32> to vector<256xf32>
    %broadcast_in_dim3A_248 = vector.shape_cast %reduce_sum3A_247 : vector<256xf32> to vector<256x1xf32>
    %sqrt3A_249 = math.sqrt %broadcast_in_dim3A_248 : vector<256x1xf32>
    %add3A_250 = arith.constant 9.99999993E-9 : f32
    %add3A_251 = vector.broadcast %add3A_250 : f32 to vector<256x1xf32>
    %add3A_252 = arith.addf %sqrt3A_249, %add3A_251 : vector<256x1xf32>
    %div3A_253 = vector.broadcast %add3A_252 : vector<256x1xf32> to vector<256x128xf32>
    %div3A_254 = arith.divf %get3A_244, %div3A_253 : vector<256x128xf32>
    %swap3A_255 = arith.constant 4 : index
    %swap3A_256 = arith.constant 0 : index
    %swap3A_257 = arith.constant 0 : index
    %swap3A_258 = vector.load %arg3[%swap3A_255, %swap3A_256, %swap3A_257] : memref<8x256x128xf32, #tpu.memory_space<vmem>>, vector<1x256x128xf32>
    %swap3A_259 = vector.shape_cast %swap3A_258 : vector<1x256x128xf32> to vector<256x128xf32>
    %swap3A_260 = vector.shape_cast %div3A_254 : vector<256x128xf32> to vector<1x256x128xf32>
    tpu.vector_store %arg3[%swap3A_255, %swap3A_256, %swap3A_257], %swap3A_260 {strides = array<i32>} : memref<8x256x128xf32, #tpu.memory_space<vmem>>, vector<1x256x128xf32>,
    %dot_general3A_261 = arith.constant dense<0.000000e+00> : vector<256x128xf32>
    %dot_general3A_262 = tpu.matmul %div3A_254, %div3A_5, %dot_general3A_261 {dimension_numbers = #tpu.dot_dimension_numbers<[1], [1], [0], [0], [0, 0, 1, 0], [], []>, transpose_lhs_hint = false} : vector<256x128xf32>, vector<128x128xf32>, vector<256x128xf32> -> vector<256x128xf32>
    %mul3A_263 = arith.constant 2.000000e+00 : f32
    %mul3A_264 = vector.broadcast %mul3A_263 : f32 to vector<256x128xf32>
    %mul3A_265 = arith.mulf %mul3A_264, %dot_general3A_262 : vector<256x128xf32>
    %sub3A_266 = vector.broadcast %dot_general3A_7 : vector<1x128xf32> to vector<256x128xf32>
    %sub3A_267 = arith.subf %sub3A_266, %mul3A_265 : vector<256x128xf32>
    %reduce_min3A_268 = arith.constant dense<0x7F800000> : vector<256xf32>
    %reduce_min3A_269 = vector.multi_reduction <minimumf>, %sub3A_267, %reduce_min3A_268 [1] : vector<256x128xf32> to vector<256xf32>
    %broadcast_in_dim3A_270 = vector.shape_cast %reduce_min3A_269 : vector<256xf32> to vector<256x1xf32>
    %eq3A_271 = vector.broadcast %broadcast_in_dim3A_270 : vector<256x1xf32> to vector<256x128xf32>
    %eq3A_272 = arith.cmpf oeq, %sub3A_267, %eq3A_271 : vector<256x128xf32>
    %jit3A_273 = arith.constant 129 : i32
    %broadcast_in_dim3A_274 = vector.broadcast %jit3A_273 : i32 to vector<256x128xi32>
    %select_n3A_275 = arith.select %eq3A_272, %iota3A, %broadcast_in_dim3A_274 : vector<256x128xi1>, vector<256x128xi32>
    %reduce_min3A_276 = arith.constant dense<2147483647> : vector<256xi32>
    %reduce_min3A_277 = vector.multi_reduction <minsi>, %select_n3A_275, %reduce_min3A_276 [1] : vector<256x128xi32> to vector<256xi32>
    %broadcast_in_dim3A_278 = vector.shape_cast %reduce_min3A_277 : vector<256xi32> to vector<256x1xi32>
    %add3A_279 = arith.constant 512 : i32
    %add3A_280 = vector.broadcast %add3A_279 : i32 to vector<256x1xi32>
    %add3A_281 = arith.addi %broadcast_in_dim3A_278, %add3A_280 : vector<256x1xi32>
    %swap3A_282 = arith.constant 4 : index
    %swap3A_283 = arith.constant 0 : index
    %swap3A_284 = arith.constant 0 : index
    %swap3A_285 = vector.load %arg4[%swap3A_282, %swap3A_283, %swap3A_284] : memref<8x256x1xi32, #tpu.memory_space<vmem>>, vector<1x256x1xi32>
    %swap3A_286 = vector.shape_cast %swap3A_285 : vector<1x256x1xi32> to vector<256x1xi32>
    %swap3A_287 = vector.shape_cast %add3A_281 : vector<256x1xi32> to vector<1x256x1xi32>
    tpu.vector_store %arg4[%swap3A_282, %swap3A_283, %swap3A_284], %swap3A_287 {strides = array<i32>} : memref<8x256x1xi32, #tpu.memory_space<vmem>>, vector<1x256x1xi32>,
    %eq3A_288 = vector.broadcast %broadcast_in_dim3A_278 : vector<256x1xi32> to vector<256x128xi32>
    %eq3A_289 = arith.cmpi eq, %eq3A_288, %iota3A : vector<256x128xi32>
    %convert_element_type3A_290 = arith.extui %eq3A_289 : vector<256x128xi1> to vector<256x128xi32>
    %convert_element_type3A_291 = arith.sitofp %convert_element_type3A_290 : vector<256x128xi32> to vector<256x128xf32>
    %dot_general3A_292 = arith.constant dense<0.000000e+00> : vector<128x1xf32>
    %dot_general3A_293 = tpu.matmul %convert_element_type3A_291, %broadcast_in_dim3A_9, %dot_general3A_292 {dimension_numbers = #tpu.dot_dimension_numbers<[0], [0], [1], [1], [0, 1, 1, 1], [], []>, transpose_lhs_hint = false} : vector<256x128xf32>, vector<256x1xf32>, vector<128x1xf32> -> vector<128x1xf32>
    %swap3A_294 = arith.constant 4 : index
    %swap3A_295 = arith.constant 0 : index
    %swap3A_296 = arith.constant 0 : index
    %swap3A_297 = vector.load %arg5[%swap3A_294, %swap3A_295, %swap3A_296] : memref<8x128x1xf32, #tpu.memory_space<vmem>>, vector<1x128x1xf32>
    %swap3A_298 = vector.shape_cast %swap3A_297 : vector<1x128x1xf32> to vector<128x1xf32>
    %swap3A_299 = vector.shape_cast %dot_general3A_293 : vector<128x1xf32> to vector<1x128x1xf32>
    tpu.vector_store %arg5[%swap3A_294, %swap3A_295, %swap3A_296], %swap3A_299 {strides = array<i32>} : memref<8x128x1xf32, #tpu.memory_space<vmem>>, vector<1x128x1xf32>,
    %get3A_300 = arith.constant 5 : index
    %get3A_301 = arith.constant 0 : index
    %get3A_302 = arith.constant 0 : index
    %get3A_303 = vector.load %arg0[%get3A_300, %get3A_301, %get3A_302] : memref<8x256x128xf32, #tpu.memory_space<vmem>>, vector<1x256x128xf32>
    %get3A_304 = vector.shape_cast %get3A_303 : vector<1x256x128xf32> to vector<256x128xf32>
    %mul3A_305 = arith.mulf %get3A_304, %get3A_304 : vector<256x128xf32>
    %reduce_sum3A_306 = arith.constant dense<0.000000e+00> : vector<256xf32>
    %reduce_sum3A_307 = vector.multi_reduction <add>, %mul3A_305, %reduce_sum3A_306 [1] : vector<256x128xf32> to vector<256xf32>
    %broadcast_in_dim3A_308 = vector.shape_cast %reduce_sum3A_307 : vector<256xf32> to vector<256x1xf32>
    %sqrt3A_309 = math.sqrt %broadcast_in_dim3A_308 : vector<256x1xf32>
    %add3A_310 = arith.constant 9.99999993E-9 : f32
    %add3A_311 = vector.broadcast %add3A_310 : f32 to vector<256x1xf32>
    %add3A_312 = arith.addf %sqrt3A_309, %add3A_311 : vector<256x1xf32>
    %div3A_313 = vector.broadcast %add3A_312 : vector<256x1xf32> to vector<256x128xf32>
    %div3A_314 = arith.divf %get3A_304, %div3A_313 : vector<256x128xf32>
    %swap3A_315 = arith.constant 5 : index
    %swap3A_316 = arith.constant 0 : index
    %swap3A_317 = arith.constant 0 : index
    %swap3A_318 = vector.load %arg3[%swap3A_315, %swap3A_316, %swap3A_317] : memref<8x256x128xf32, #tpu.memory_space<vmem>>, vector<1x256x128xf32>
    %swap3A_319 = vector.shape_cast %swap3A_318 : vector<1x256x128xf32> to vector<256x128xf32>
    %swap3A_320 = vector.shape_cast %div3A_314 : vector<256x128xf32> to vector<1x256x128xf32>
    tpu.vector_store %arg3[%swap3A_315, %swap3A_316, %swap3A_317], %swap3A_320 {strides = array<i32>} : memref<8x256x128xf32, #tpu.memory_space<vmem>>, vector<1x256x128xf32>,
    %dot_general3A_321 = arith.constant dense<0.000000e+00> : vector<256x128xf32>
    %dot_general3A_322 = tpu.matmul %div3A_314, %div3A_5, %dot_general3A_321 {dimension_numbers = #tpu.dot_dimension_numbers<[1], [1], [0], [0], [0, 0, 1, 0], [], []>, transpose_lhs_hint = false} : vector<256x128xf32>, vector<128x128xf32>, vector<256x128xf32> -> vector<256x128xf32>
    %mul3A_323 = arith.constant 2.000000e+00 : f32
    %mul3A_324 = vector.broadcast %mul3A_323 : f32 to vector<256x128xf32>
    %mul3A_325 = arith.mulf %mul3A_324, %dot_general3A_322 : vector<256x128xf32>
    %sub3A_326 = vector.broadcast %dot_general3A_7 : vector<1x128xf32> to vector<256x128xf32>
    %sub3A_327 = arith.subf %sub3A_326, %mul3A_325 : vector<256x128xf32>
    %reduce_min3A_328 = arith.constant dense<0x7F800000> : vector<256xf32>
    %reduce_min3A_329 = vector.multi_reduction <minimumf>, %sub3A_327, %reduce_min3A_328 [1] : vector<256x128xf32> to vector<256xf32>
    %broadcast_in_dim3A_330 = vector.shape_cast %reduce_min3A_329 : vector<256xf32> to vector<256x1xf32>
    %eq3A_331 = vector.broadcast %broadcast_in_dim3A_330 : vector<256x1xf32> to vector<256x128xf32>
    %eq3A_332 = arith.cmpf oeq, %sub3A_327, %eq3A_331 : vector<256x128xf32>
    %jit3A_333 = arith.constant 129 : i32
    %broadcast_in_dim3A_334 = vector.broadcast %jit3A_333 : i32 to vector<256x128xi32>
    %select_n3A_335 = arith.select %eq3A_332, %iota3A, %broadcast_in_dim3A_334 : vector<256x128xi1>, vector<256x128xi32>
    %reduce_min3A_336 = arith.constant dense<2147483647> : vector<256xi32>
    %reduce_min3A_337 = vector.multi_reduction <minsi>, %select_n3A_335, %reduce_min3A_336 [1] : vector<256x128xi32> to vector<256xi32>
    %broadcast_in_dim3A_338 = vector.shape_cast %reduce_min3A_337 : vector<256xi32> to vector<256x1xi32>
    %add3A_339 = arith.constant 640 : i32
    %add3A_340 = vector.broadcast %add3A_339 : i32 to vector<256x1xi32>
    %add3A_341 = arith.addi %broadcast_in_dim3A_338, %add3A_340 : vector<256x1xi32>
    %swap3A_342 = arith.constant 5 : index
    %swap3A_343 = arith.constant 0 : index
    %swap3A_344 = arith.constant 0 : index
    %swap3A_345 = vector.load %arg4[%swap3A_342, %swap3A_343, %swap3A_344] : memref<8x256x1xi32, #tpu.memory_space<vmem>>, vector<1x256x1xi32>
    %swap3A_346 = vector.shape_cast %swap3A_345 : vector<1x256x1xi32> to vector<256x1xi32>
    %swap3A_347 = vector.shape_cast %add3A_341 : vector<256x1xi32> to vector<1x256x1xi32>
    tpu.vector_store %arg4[%swap3A_342, %swap3A_343, %swap3A_344], %swap3A_347 {strides = array<i32>} : memref<8x256x1xi32, #tpu.memory_space<vmem>>, vector<1x256x1xi32>,
    %eq3A_348 = vector.broadcast %broadcast_in_dim3A_338 : vector<256x1xi32> to vector<256x128xi32>
    %eq3A_349 = arith.cmpi eq, %eq3A_348, %iota3A : vector<256x128xi32>
    %convert_element_type3A_350 = arith.extui %eq3A_349 : vector<256x128xi1> to vector<256x128xi32>
    %convert_element_type3A_351 = arith.sitofp %convert_element_type3A_350 : vector<256x128xi32> to vector<256x128xf32>
    %dot_general3A_352 = arith.constant dense<0.000000e+00> : vector<128x1xf32>
    %dot_general3A_353 = tpu.matmul %convert_element_type3A_351, %broadcast_in_dim3A_9, %dot_general3A_352 {dimension_numbers = #tpu.dot_dimension_numbers<[0], [0], [1], [1], [0, 1, 1, 1], [], []>, transpose_lhs_hint = false} : vector<256x128xf32>, vector<256x1xf32>, vector<128x1xf32> -> vector<128x1xf32>
    %swap3A_354 = arith.constant 5 : index
    %swap3A_355 = arith.constant 0 : index
    %swap3A_356 = arith.constant 0 : index
    %swap3A_357 = vector.load %arg5[%swap3A_354, %swap3A_355, %swap3A_356] : memref<8x128x1xf32, #tpu.memory_space<vmem>>, vector<1x128x1xf32>
    %swap3A_358 = vector.shape_cast %swap3A_357 : vector<1x128x1xf32> to vector<128x1xf32>
    %swap3A_359 = vector.shape_cast %dot_general3A_353 : vector<128x1xf32> to vector<1x128x1xf32>
    tpu.vector_store %arg5[%swap3A_354, %swap3A_355, %swap3A_356], %swap3A_359 {strides = array<i32>} : memref<8x128x1xf32, #tpu.memory_space<vmem>>, vector<1x128x1xf32>,
    %get3A_360 = arith.constant 6 : index
    %get3A_361 = arith.constant 0 : index
    %get3A_362 = arith.constant 0 : index
    %get3A_363 = vector.load %arg0[%get3A_360, %get3A_361, %get3A_362] : memref<8x256x128xf32, #tpu.memory_space<vmem>>, vector<1x256x128xf32>
    %get3A_364 = vector.shape_cast %get3A_363 : vector<1x256x128xf32> to vector<256x128xf32>
    %mul3A_365 = arith.mulf %get3A_364, %get3A_364 : vector<256x128xf32>
    %reduce_sum3A_366 = arith.constant dense<0.000000e+00> : vector<256xf32>
    %reduce_sum3A_367 = vector.multi_reduction <add>, %mul3A_365, %reduce_sum3A_366 [1] : vector<256x128xf32> to vector<256xf32>
    %broadcast_in_dim3A_368 = vector.shape_cast %reduce_sum3A_367 : vector<256xf32> to vector<256x1xf32>
    %sqrt3A_369 = math.sqrt %broadcast_in_dim3A_368 : vector<256x1xf32>
    %add3A_370 = arith.constant 9.99999993E-9 : f32
    %add3A_371 = vector.broadcast %add3A_370 : f32 to vector<256x1xf32>
    %add3A_372 = arith.addf %sqrt3A_369, %add3A_371 : vector<256x1xf32>
    %div3A_373 = vector.broadcast %add3A_372 : vector<256x1xf32> to vector<256x128xf32>
    %div3A_374 = arith.divf %get3A_364, %div3A_373 : vector<256x128xf32>
    %swap3A_375 = arith.constant 6 : index
    %swap3A_376 = arith.constant 0 : index
    %swap3A_377 = arith.constant 0 : index
    %swap3A_378 = vector.load %arg3[%swap3A_375, %swap3A_376, %swap3A_377] : memref<8x256x128xf32, #tpu.memory_space<vmem>>, vector<1x256x128xf32>
    %swap3A_379 = vector.shape_cast %swap3A_378 : vector<1x256x128xf32> to vector<256x128xf32>
    %swap3A_380 = vector.shape_cast %div3A_374 : vector<256x128xf32> to vector<1x256x128xf32>
    tpu.vector_store %arg3[%swap3A_375, %swap3A_376, %swap3A_377], %swap3A_380 {strides = array<i32>} : memref<8x256x128xf32, #tpu.memory_space<vmem>>, vector<1x256x128xf32>,
    %dot_general3A_381 = arith.constant dense<0.000000e+00> : vector<256x128xf32>
    %dot_general3A_382 = tpu.matmul %div3A_374, %div3A_5, %dot_general3A_381 {dimension_numbers = #tpu.dot_dimension_numbers<[1], [1], [0], [0], [0, 0, 1, 0], [], []>, transpose_lhs_hint = false} : vector<256x128xf32>, vector<128x128xf32>, vector<256x128xf32> -> vector<256x128xf32>
    %mul3A_383 = arith.constant 2.000000e+00 : f32
    %mul3A_384 = vector.broadcast %mul3A_383 : f32 to vector<256x128xf32>
    %mul3A_385 = arith.mulf %mul3A_384, %dot_general3A_382 : vector<256x128xf32>
    %sub3A_386 = vector.broadcast %dot_general3A_7 : vector<1x128xf32> to vector<256x128xf32>
    %sub3A_387 = arith.subf %sub3A_386, %mul3A_385 : vector<256x128xf32>
    %reduce_min3A_388 = arith.constant dense<0x7F800000> : vector<256xf32>
    %reduce_min3A_389 = vector.multi_reduction <minimumf>, %sub3A_387, %reduce_min3A_388 [1] : vector<256x128xf32> to vector<256xf32>
    %broadcast_in_dim3A_390 = vector.shape_cast %reduce_min3A_389 : vector<256xf32> to vector<256x1xf32>
    %eq3A_391 = vector.broadcast %broadcast_in_dim3A_390 : vector<256x1xf32> to vector<256x128xf32>
    %eq3A_392 = arith.cmpf oeq, %sub3A_387, %eq3A_391 : vector<256x128xf32>
    %jit3A_393 = arith.constant 129 : i32
    %broadcast_in_dim3A_394 = vector.broadcast %jit3A_393 : i32 to vector<256x128xi32>
    %select_n3A_395 = arith.select %eq3A_392, %iota3A, %broadcast_in_dim3A_394 : vector<256x128xi1>, vector<256x128xi32>
    %reduce_min3A_396 = arith.constant dense<2147483647> : vector<256xi32>
    %reduce_min3A_397 = vector.multi_reduction <minsi>, %select_n3A_395, %reduce_min3A_396 [1] : vector<256x128xi32> to vector<256xi32>
    %broadcast_in_dim3A_398 = vector.shape_cast %reduce_min3A_397 : vector<256xi32> to vector<256x1xi32>
    %add3A_399 = arith.constant 768 : i32
    %add3A_400 = vector.broadcast %add3A_399 : i32 to vector<256x1xi32>
    %add3A_401 = arith.addi %broadcast_in_dim3A_398, %add3A_400 : vector<256x1xi32>
    %swap3A_402 = arith.constant 6 : index
    %swap3A_403 = arith.constant 0 : index
    %swap3A_404 = arith.constant 0 : index
    %swap3A_405 = vector.load %arg4[%swap3A_402, %swap3A_403, %swap3A_404] : memref<8x256x1xi32, #tpu.memory_space<vmem>>, vector<1x256x1xi32>
    %swap3A_406 = vector.shape_cast %swap3A_405 : vector<1x256x1xi32> to vector<256x1xi32>
    %swap3A_407 = vector.shape_cast %add3A_401 : vector<256x1xi32> to vector<1x256x1xi32>
    tpu.vector_store %arg4[%swap3A_402, %swap3A_403, %swap3A_404], %swap3A_407 {strides = array<i32>} : memref<8x256x1xi32, #tpu.memory_space<vmem>>, vector<1x256x1xi32>,
    %eq3A_408 = vector.broadcast %broadcast_in_dim3A_398 : vector<256x1xi32> to vector<256x128xi32>
    %eq3A_409 = arith.cmpi eq, %eq3A_408, %iota3A : vector<256x128xi32>
    %convert_element_type3A_410 = arith.extui %eq3A_409 : vector<256x128xi1> to vector<256x128xi32>
    %convert_element_type3A_411 = arith.sitofp %convert_element_type3A_410 : vector<256x128xi32> to vector<256x128xf32>
    %dot_general3A_412 = arith.constant dense<0.000000e+00> : vector<128x1xf32>
    %dot_general3A_413 = tpu.matmul %convert_element_type3A_411, %broadcast_in_dim3A_9, %dot_general3A_412 {dimension_numbers = #tpu.dot_dimension_numbers<[0], [0], [1], [1], [0, 1, 1, 1], [], []>, transpose_lhs_hint = false} : vector<256x128xf32>, vector<256x1xf32>, vector<128x1xf32> -> vector<128x1xf32>
    %swap3A_414 = arith.constant 6 : index
    %swap3A_415 = arith.constant 0 : index
    %swap3A_416 = arith.constant 0 : index
    %swap3A_417 = vector.load %arg5[%swap3A_414, %swap3A_415, %swap3A_416] : memref<8x128x1xf32, #tpu.memory_space<vmem>>, vector<1x128x1xf32>
    %swap3A_418 = vector.shape_cast %swap3A_417 : vector<1x128x1xf32> to vector<128x1xf32>
    %swap3A_419 = vector.shape_cast %dot_general3A_413 : vector<128x1xf32> to vector<1x128x1xf32>
    tpu.vector_store %arg5[%swap3A_414, %swap3A_415, %swap3A_416], %swap3A_419 {strides = array<i32>} : memref<8x128x1xf32, #tpu.memory_space<vmem>>, vector<1x128x1xf32>,
    %get3A_420 = arith.constant 7 : index
    %get3A_421 = arith.constant 0 : index
    %get3A_422 = arith.constant 0 : index
    %get3A_423 = vector.load %arg0[%get3A_420, %get3A_421, %get3A_422] : memref<8x256x128xf32, #tpu.memory_space<vmem>>, vector<1x256x128xf32>
    %get3A_424 = vector.shape_cast %get3A_423 : vector<1x256x128xf32> to vector<256x128xf32>
    %mul3A_425 = arith.mulf %get3A_424, %get3A_424 : vector<256x128xf32>
    %reduce_sum3A_426 = arith.constant dense<0.000000e+00> : vector<256xf32>
    %reduce_sum3A_427 = vector.multi_reduction <add>, %mul3A_425, %reduce_sum3A_426 [1] : vector<256x128xf32> to vector<256xf32>
    %broadcast_in_dim3A_428 = vector.shape_cast %reduce_sum3A_427 : vector<256xf32> to vector<256x1xf32>
    %sqrt3A_429 = math.sqrt %broadcast_in_dim3A_428 : vector<256x1xf32>
    %add3A_430 = arith.constant 9.99999993E-9 : f32
    %add3A_431 = vector.broadcast %add3A_430 : f32 to vector<256x1xf32>
    %add3A_432 = arith.addf %sqrt3A_429, %add3A_431 : vector<256x1xf32>
    %div3A_433 = vector.broadcast %add3A_432 : vector<256x1xf32> to vector<256x128xf32>
    %div3A_434 = arith.divf %get3A_424, %div3A_433 : vector<256x128xf32>
    %swap3A_435 = arith.constant 7 : index
    %swap3A_436 = arith.constant 0 : index
    %swap3A_437 = arith.constant 0 : index
    %swap3A_438 = vector.load %arg3[%swap3A_435, %swap3A_436, %swap3A_437] : memref<8x256x128xf32, #tpu.memory_space<vmem>>, vector<1x256x128xf32>
    %swap3A_439 = vector.shape_cast %swap3A_438 : vector<1x256x128xf32> to vector<256x128xf32>
    %swap3A_440 = vector.shape_cast %div3A_434 : vector<256x128xf32> to vector<1x256x128xf32>
    tpu.vector_store %arg3[%swap3A_435, %swap3A_436, %swap3A_437], %swap3A_440 {strides = array<i32>} : memref<8x256x128xf32, #tpu.memory_space<vmem>>, vector<1x256x128xf32>,
    %dot_general3A_441 = arith.constant dense<0.000000e+00> : vector<256x128xf32>
    %dot_general3A_442 = tpu.matmul %div3A_434, %div3A_5, %dot_general3A_441 {dimension_numbers = #tpu.dot_dimension_numbers<[1], [1], [0], [0], [0, 0, 1, 0], [], []>, transpose_lhs_hint = false} : vector<256x128xf32>, vector<128x128xf32>, vector<256x128xf32> -> vector<256x128xf32>
    %mul3A_443 = arith.constant 2.000000e+00 : f32
    %mul3A_444 = vector.broadcast %mul3A_443 : f32 to vector<256x128xf32>
    %mul3A_445 = arith.mulf %mul3A_444, %dot_general3A_442 : vector<256x128xf32>
    %sub3A_446 = vector.broadcast %dot_general3A_7 : vector<1x128xf32> to vector<256x128xf32>
    %sub3A_447 = arith.subf %sub3A_446, %mul3A_445 : vector<256x128xf32>
    %reduce_min3A_448 = arith.constant dense<0x7F800000> : vector<256xf32>
    %reduce_min3A_449 = vector.multi_reduction <minimumf>, %sub3A_447, %reduce_min3A_448 [1] : vector<256x128xf32> to vector<256xf32>
    %broadcast_in_dim3A_450 = vector.shape_cast %reduce_min3A_449 : vector<256xf32> to vector<256x1xf32>
    %eq3A_451 = vector.broadcast %broadcast_in_dim3A_450 : vector<256x1xf32> to vector<256x128xf32>
    %eq3A_452 = arith.cmpf oeq, %sub3A_447, %eq3A_451 : vector<256x128xf32>
    %jit3A_453 = arith.constant 129 : i32
    %broadcast_in_dim3A_454 = vector.broadcast %jit3A_453 : i32 to vector<256x128xi32>
    %select_n3A_455 = arith.select %eq3A_452, %iota3A, %broadcast_in_dim3A_454 : vector<256x128xi1>, vector<256x128xi32>
    %reduce_min3A_456 = arith.constant dense<2147483647> : vector<256xi32>
    %reduce_min3A_457 = vector.multi_reduction <minsi>, %select_n3A_455, %reduce_min3A_456 [1] : vector<256x128xi32> to vector<256xi32>
    %broadcast_in_dim3A_458 = vector.shape_cast %reduce_min3A_457 : vector<256xi32> to vector<256x1xi32>
    %add3A_459 = arith.constant 896 : i32
    %add3A_460 = vector.broadcast %add3A_459 : i32 to vector<256x1xi32>
    %add3A_461 = arith.addi %broadcast_in_dim3A_458, %add3A_460 : vector<256x1xi32>
    %swap3A_462 = arith.constant 7 : index
    %swap3A_463 = arith.constant 0 : index
    %swap3A_464 = arith.constant 0 : index
    %swap3A_465 = vector.load %arg4[%swap3A_462, %swap3A_463, %swap3A_464] : memref<8x256x1xi32, #tpu.memory_space<vmem>>, vector<1x256x1xi32>
    %swap3A_466 = vector.shape_cast %swap3A_465 : vector<1x256x1xi32> to vector<256x1xi32>
    %swap3A_467 = vector.shape_cast %add3A_461 : vector<256x1xi32> to vector<1x256x1xi32>
    tpu.vector_store %arg4[%swap3A_462, %swap3A_463, %swap3A_464], %swap3A_467 {strides = array<i32>} : memref<8x256x1xi32, #tpu.memory_space<vmem>>, vector<1x256x1xi32>,
    %eq3A_468 = vector.broadcast %broadcast_in_dim3A_458 : vector<256x1xi32> to vector<256x128xi32>
    %eq3A_469 = arith.cmpi eq, %eq3A_468, %iota3A : vector<256x128xi32>
    %convert_element_type3A_470 = arith.extui %eq3A_469 : vector<256x128xi1> to vector<256x128xi32>
    %convert_element_type3A_471 = arith.sitofp %convert_element_type3A_470 : vector<256x128xi32> to vector<256x128xf32>
    %dot_general3A_472 = arith.constant dense<0.000000e+00> : vector<128x1xf32>
    %dot_general3A_473 = tpu.matmul %convert_element_type3A_471, %broadcast_in_dim3A_9, %dot_general3A_472 {dimension_numbers = #tpu.dot_dimension_numbers<[0], [0], [1], [1], [0, 1, 1, 1], [], []>, transpose_lhs_hint = false} : vector<256x128xf32>, vector<256x1xf32>, vector<128x1xf32> -> vector<128x1xf32>
    %swap3A_474 = arith.constant 7 : index
    %swap3A_475 = arith.constant 0 : index
    %swap3A_476 = arith.constant 0 : index
    %swap3A_477 = vector.load %arg5[%swap3A_474, %swap3A_475, %swap3A_476] : memref<8x128x1xf32, #tpu.memory_space<vmem>>, vector<1x128x1xf32>
    %swap3A_478 = vector.shape_cast %swap3A_477 : vector<1x128x1xf32> to vector<128x1xf32>
    %swap3A_479 = vector.shape_cast %dot_general3A_473 : vector<128x1xf32> to vector<1x128x1xf32>
    tpu.vector_store %arg5[%swap3A_474, %swap3A_475, %swap3A_476], %swap3A_479 {strides = array<i32>} : memref<8x128x1xf32, #tpu.memory_space<vmem>>, vector<1x128x1xf32>,
    return
  }
}

module attributes {stable_mosaic.version = 14 : i64} {
  func.func @_finish_kernel(%arg0: memref<2x1024x128xf32, #tpu.memory_space<vmem>>, %arg1: memref<8x128x1xf32, #tpu.memory_space<vmem>>, %arg2: memref<128x128xf32, #tpu.memory_space<vmem>>, %arg3: memref<128x1xf32, #tpu.memory_space<vmem>>, %arg4: memref<8x128x128xf32, #tpu.memory_space<vmem>>, %arg5: memref<8x128x128xf32, #tpu.memory_space<vmem>>) attributes {dimension_semantics = [], scalar_prefetch = 0 : i64, scratch_operands = 1 : i64, tpu.core_type = #tpu.core_type<tc>} {
    %get3A = arith.constant 0 : index
    %get3A_0 = arith.constant 0 : index
    %get3A_1 = vector.load %arg2[%get3A, %get3A_0] : memref<128x128xf32, #tpu.memory_space<vmem>>, vector<128x128xf32>
    %get3A_2 = arith.constant 0 : index
    %get3A_3 = arith.constant 0 : index
    %get3A_4 = vector.load %arg3[%get3A_2, %get3A_3] : memref<128x1xf32, #tpu.memory_space<vmem>>, vector<128x1xf32>
    %div3A = vector.broadcast %get3A_4 : vector<128x1xf32> to vector<128x128xf32>
    %div3A_5 = arith.divf %get3A_1, %div3A : vector<128x128xf32>
    %get3A_6 = arith.constant 0 : index
    %get3A_7 = arith.constant 0 : index
    %get3A_8 = arith.constant 0 : index
    %get3A_9 = vector.load %arg0[%get3A_6, %get3A_7, %get3A_8] : memref<2x1024x128xf32, #tpu.memory_space<vmem>>, vector<1x128x128xf32>
    %get3A_10 = vector.shape_cast %get3A_9 : vector<1x128x128xf32> to vector<128x128xf32>
    %get3A_11 = arith.constant 1 : index
    %get3A_12 = arith.constant 0 : index
    %get3A_13 = arith.constant 0 : index
    %get3A_14 = vector.load %arg0[%get3A_11, %get3A_12, %get3A_13] : memref<2x1024x128xf32, #tpu.memory_space<vmem>>, vector<1x128x128xf32>
    %get3A_15 = vector.shape_cast %get3A_14 : vector<1x128x128xf32> to vector<128x128xf32>
    %add3A = arith.addf %get3A_10, %get3A_15 : vector<128x128xf32>
    %get3A_16 = arith.constant 0 : index
    %get3A_17 = arith.constant 0 : index
    %get3A_18 = arith.constant 0 : index
    %get3A_19 = vector.load %arg1[%get3A_16, %get3A_17, %get3A_18] : memref<8x128x1xf32, #tpu.memory_space<vmem>>, vector<1x128x1xf32>
    %get3A_20 = vector.shape_cast %get3A_19 : vector<1x128x1xf32> to vector<128x1xf32>
    %mul3A = vector.broadcast %get3A_20 : vector<128x1xf32> to vector<128x128xf32>
    %mul3A_21 = arith.mulf %div3A_5, %mul3A : vector<128x128xf32>
    %sub3A = arith.subf %mul3A_21, %add3A : vector<128x128xf32>
    %swap3A = arith.constant 0 : index
    %swap3A_22 = arith.constant 0 : index
    %swap3A_23 = arith.constant 0 : index
    %swap3A_24 = vector.load %arg5[%swap3A, %swap3A_22, %swap3A_23] : memref<8x128x128xf32, #tpu.memory_space<vmem>>, vector<1x128x128xf32>
    %swap3A_25 = vector.shape_cast %swap3A_24 : vector<1x128x128xf32> to vector<128x128xf32>
    %swap3A_26 = vector.shape_cast %sub3A : vector<128x128xf32> to vector<1x128x128xf32>
    tpu.vector_store %arg5[%swap3A, %swap3A_22, %swap3A_23], %swap3A_26 {strides = array<i32>} : memref<8x128x128xf32, #tpu.memory_space<vmem>>, vector<1x128x128xf32>,
    %get3A_27 = arith.constant 0 : index
    %get3A_28 = arith.constant 128 : index
    %get3A_29 = arith.constant 0 : index
    %get3A_30 = vector.load %arg0[%get3A_27, %get3A_28, %get3A_29] : memref<2x1024x128xf32, #tpu.memory_space<vmem>>, vector<1x128x128xf32>
    %get3A_31 = vector.shape_cast %get3A_30 : vector<1x128x128xf32> to vector<128x128xf32>
    %get3A_32 = arith.constant 1 : index
    %get3A_33 = arith.constant 128 : index
    %get3A_34 = arith.constant 0 : index
    %get3A_35 = vector.load %arg0[%get3A_32, %get3A_33, %get3A_34] : memref<2x1024x128xf32, #tpu.memory_space<vmem>>, vector<1x128x128xf32>
    %get3A_36 = vector.shape_cast %get3A_35 : vector<1x128x128xf32> to vector<128x128xf32>
    %add3A_37 = arith.addf %get3A_31, %get3A_36 : vector<128x128xf32>
    %get3A_38 = arith.constant 1 : index
    %get3A_39 = arith.constant 0 : index
    %get3A_40 = arith.constant 0 : index
    %get3A_41 = vector.load %arg1[%get3A_38, %get3A_39, %get3A_40] : memref<8x128x1xf32, #tpu.memory_space<vmem>>, vector<1x128x1xf32>
    %get3A_42 = vector.shape_cast %get3A_41 : vector<1x128x1xf32> to vector<128x1xf32>
    %mul3A_43 = vector.broadcast %get3A_42 : vector<128x1xf32> to vector<128x128xf32>
    %mul3A_44 = arith.mulf %div3A_5, %mul3A_43 : vector<128x128xf32>
    %sub3A_45 = arith.subf %mul3A_44, %add3A_37 : vector<128x128xf32>
    %swap3A_46 = arith.constant 1 : index
    %swap3A_47 = arith.constant 0 : index
    %swap3A_48 = arith.constant 0 : index
    %swap3A_49 = vector.load %arg5[%swap3A_46, %swap3A_47, %swap3A_48] : memref<8x128x128xf32, #tpu.memory_space<vmem>>, vector<1x128x128xf32>
    %swap3A_50 = vector.shape_cast %swap3A_49 : vector<1x128x128xf32> to vector<128x128xf32>
    %swap3A_51 = vector.shape_cast %sub3A_45 : vector<128x128xf32> to vector<1x128x128xf32>
    tpu.vector_store %arg5[%swap3A_46, %swap3A_47, %swap3A_48], %swap3A_51 {strides = array<i32>} : memref<8x128x128xf32, #tpu.memory_space<vmem>>, vector<1x128x128xf32>,
    %get3A_52 = arith.constant 0 : index
    %get3A_53 = arith.constant 256 : index
    %get3A_54 = arith.constant 0 : index
    %get3A_55 = vector.load %arg0[%get3A_52, %get3A_53, %get3A_54] : memref<2x1024x128xf32, #tpu.memory_space<vmem>>, vector<1x128x128xf32>
    %get3A_56 = vector.shape_cast %get3A_55 : vector<1x128x128xf32> to vector<128x128xf32>
    %get3A_57 = arith.constant 1 : index
    %get3A_58 = arith.constant 256 : index
    %get3A_59 = arith.constant 0 : index
    %get3A_60 = vector.load %arg0[%get3A_57, %get3A_58, %get3A_59] : memref<2x1024x128xf32, #tpu.memory_space<vmem>>, vector<1x128x128xf32>
    %get3A_61 = vector.shape_cast %get3A_60 : vector<1x128x128xf32> to vector<128x128xf32>
    %add3A_62 = arith.addf %get3A_56, %get3A_61 : vector<128x128xf32>
    %get3A_63 = arith.constant 2 : index
    %get3A_64 = arith.constant 0 : index
    %get3A_65 = arith.constant 0 : index
    %get3A_66 = vector.load %arg1[%get3A_63, %get3A_64, %get3A_65] : memref<8x128x1xf32, #tpu.memory_space<vmem>>, vector<1x128x1xf32>
    %get3A_67 = vector.shape_cast %get3A_66 : vector<1x128x1xf32> to vector<128x1xf32>
    %mul3A_68 = vector.broadcast %get3A_67 : vector<128x1xf32> to vector<128x128xf32>
    %mul3A_69 = arith.mulf %div3A_5, %mul3A_68 : vector<128x128xf32>
    %sub3A_70 = arith.subf %mul3A_69, %add3A_62 : vector<128x128xf32>
    %swap3A_71 = arith.constant 2 : index
    %swap3A_72 = arith.constant 0 : index
    %swap3A_73 = arith.constant 0 : index
    %swap3A_74 = vector.load %arg5[%swap3A_71, %swap3A_72, %swap3A_73] : memref<8x128x128xf32, #tpu.memory_space<vmem>>, vector<1x128x128xf32>
    %swap3A_75 = vector.shape_cast %swap3A_74 : vector<1x128x128xf32> to vector<128x128xf32>
    %swap3A_76 = vector.shape_cast %sub3A_70 : vector<128x128xf32> to vector<1x128x128xf32>
    tpu.vector_store %arg5[%swap3A_71, %swap3A_72, %swap3A_73], %swap3A_76 {strides = array<i32>} : memref<8x128x128xf32, #tpu.memory_space<vmem>>, vector<1x128x128xf32>,
    %get3A_77 = arith.constant 0 : index
    %get3A_78 = arith.constant 384 : index
    %get3A_79 = arith.constant 0 : index
    %get3A_80 = vector.load %arg0[%get3A_77, %get3A_78, %get3A_79] : memref<2x1024x128xf32, #tpu.memory_space<vmem>>, vector<1x128x128xf32>
    %get3A_81 = vector.shape_cast %get3A_80 : vector<1x128x128xf32> to vector<128x128xf32>
    %get3A_82 = arith.constant 1 : index
    %get3A_83 = arith.constant 384 : index
    %get3A_84 = arith.constant 0 : index
    %get3A_85 = vector.load %arg0[%get3A_82, %get3A_83, %get3A_84] : memref<2x1024x128xf32, #tpu.memory_space<vmem>>, vector<1x128x128xf32>
    %get3A_86 = vector.shape_cast %get3A_85 : vector<1x128x128xf32> to vector<128x128xf32>
    %add3A_87 = arith.addf %get3A_81, %get3A_86 : vector<128x128xf32>
    %get3A_88 = arith.constant 3 : index
    %get3A_89 = arith.constant 0 : index
    %get3A_90 = arith.constant 0 : index
    %get3A_91 = vector.load %arg1[%get3A_88, %get3A_89, %get3A_90] : memref<8x128x1xf32, #tpu.memory_space<vmem>>, vector<1x128x1xf32>
    %get3A_92 = vector.shape_cast %get3A_91 : vector<1x128x1xf32> to vector<128x1xf32>
    %mul3A_93 = vector.broadcast %get3A_92 : vector<128x1xf32> to vector<128x128xf32>
    %mul3A_94 = arith.mulf %div3A_5, %mul3A_93 : vector<128x128xf32>
    %sub3A_95 = arith.subf %mul3A_94, %add3A_87 : vector<128x128xf32>
    %swap3A_96 = arith.constant 3 : index
    %swap3A_97 = arith.constant 0 : index
    %swap3A_98 = arith.constant 0 : index
    %swap3A_99 = vector.load %arg5[%swap3A_96, %swap3A_97, %swap3A_98] : memref<8x128x128xf32, #tpu.memory_space<vmem>>, vector<1x128x128xf32>
    %swap3A_100 = vector.shape_cast %swap3A_99 : vector<1x128x128xf32> to vector<128x128xf32>
    %swap3A_101 = vector.shape_cast %sub3A_95 : vector<128x128xf32> to vector<1x128x128xf32>
    tpu.vector_store %arg5[%swap3A_96, %swap3A_97, %swap3A_98], %swap3A_101 {strides = array<i32>} : memref<8x128x128xf32, #tpu.memory_space<vmem>>, vector<1x128x128xf32>,
    %get3A_102 = arith.constant 0 : index
    %get3A_103 = arith.constant 512 : index
    %get3A_104 = arith.constant 0 : index
    %get3A_105 = vector.load %arg0[%get3A_102, %get3A_103, %get3A_104] : memref<2x1024x128xf32, #tpu.memory_space<vmem>>, vector<1x128x128xf32>
    %get3A_106 = vector.shape_cast %get3A_105 : vector<1x128x128xf32> to vector<128x128xf32>
    %get3A_107 = arith.constant 1 : index
    %get3A_108 = arith.constant 512 : index
    %get3A_109 = arith.constant 0 : index
    %get3A_110 = vector.load %arg0[%get3A_107, %get3A_108, %get3A_109] : memref<2x1024x128xf32, #tpu.memory_space<vmem>>, vector<1x128x128xf32>
    %get3A_111 = vector.shape_cast %get3A_110 : vector<1x128x128xf32> to vector<128x128xf32>
    %add3A_112 = arith.addf %get3A_106, %get3A_111 : vector<128x128xf32>
    %get3A_113 = arith.constant 4 : index
    %get3A_114 = arith.constant 0 : index
    %get3A_115 = arith.constant 0 : index
    %get3A_116 = vector.load %arg1[%get3A_113, %get3A_114, %get3A_115] : memref<8x128x1xf32, #tpu.memory_space<vmem>>, vector<1x128x1xf32>
    %get3A_117 = vector.shape_cast %get3A_116 : vector<1x128x1xf32> to vector<128x1xf32>
    %mul3A_118 = vector.broadcast %get3A_117 : vector<128x1xf32> to vector<128x128xf32>
    %mul3A_119 = arith.mulf %div3A_5, %mul3A_118 : vector<128x128xf32>
    %sub3A_120 = arith.subf %mul3A_119, %add3A_112 : vector<128x128xf32>
    %swap3A_121 = arith.constant 4 : index
    %swap3A_122 = arith.constant 0 : index
    %swap3A_123 = arith.constant 0 : index
    %swap3A_124 = vector.load %arg5[%swap3A_121, %swap3A_122, %swap3A_123] : memref<8x128x128xf32, #tpu.memory_space<vmem>>, vector<1x128x128xf32>
    %swap3A_125 = vector.shape_cast %swap3A_124 : vector<1x128x128xf32> to vector<128x128xf32>
    %swap3A_126 = vector.shape_cast %sub3A_120 : vector<128x128xf32> to vector<1x128x128xf32>
    tpu.vector_store %arg5[%swap3A_121, %swap3A_122, %swap3A_123], %swap3A_126 {strides = array<i32>} : memref<8x128x128xf32, #tpu.memory_space<vmem>>, vector<1x128x128xf32>,
    %get3A_127 = arith.constant 0 : index
    %get3A_128 = arith.constant 640 : index
    %get3A_129 = arith.constant 0 : index
    %get3A_130 = vector.load %arg0[%get3A_127, %get3A_128, %get3A_129] : memref<2x1024x128xf32, #tpu.memory_space<vmem>>, vector<1x128x128xf32>
    %get3A_131 = vector.shape_cast %get3A_130 : vector<1x128x128xf32> to vector<128x128xf32>
    %get3A_132 = arith.constant 1 : index
    %get3A_133 = arith.constant 640 : index
    %get3A_134 = arith.constant 0 : index
    %get3A_135 = vector.load %arg0[%get3A_132, %get3A_133, %get3A_134] : memref<2x1024x128xf32, #tpu.memory_space<vmem>>, vector<1x128x128xf32>
    %get3A_136 = vector.shape_cast %get3A_135 : vector<1x128x128xf32> to vector<128x128xf32>
    %add3A_137 = arith.addf %get3A_131, %get3A_136 : vector<128x128xf32>
    %get3A_138 = arith.constant 5 : index
    %get3A_139 = arith.constant 0 : index
    %get3A_140 = arith.constant 0 : index
    %get3A_141 = vector.load %arg1[%get3A_138, %get3A_139, %get3A_140] : memref<8x128x1xf32, #tpu.memory_space<vmem>>, vector<1x128x1xf32>
    %get3A_142 = vector.shape_cast %get3A_141 : vector<1x128x1xf32> to vector<128x1xf32>
    %mul3A_143 = vector.broadcast %get3A_142 : vector<128x1xf32> to vector<128x128xf32>
    %mul3A_144 = arith.mulf %div3A_5, %mul3A_143 : vector<128x128xf32>
    %sub3A_145 = arith.subf %mul3A_144, %add3A_137 : vector<128x128xf32>
    %swap3A_146 = arith.constant 5 : index
    %swap3A_147 = arith.constant 0 : index
    %swap3A_148 = arith.constant 0 : index
    %swap3A_149 = vector.load %arg5[%swap3A_146, %swap3A_147, %swap3A_148] : memref<8x128x128xf32, #tpu.memory_space<vmem>>, vector<1x128x128xf32>
    %swap3A_150 = vector.shape_cast %swap3A_149 : vector<1x128x128xf32> to vector<128x128xf32>
    %swap3A_151 = vector.shape_cast %sub3A_145 : vector<128x128xf32> to vector<1x128x128xf32>
    tpu.vector_store %arg5[%swap3A_146, %swap3A_147, %swap3A_148], %swap3A_151 {strides = array<i32>} : memref<8x128x128xf32, #tpu.memory_space<vmem>>, vector<1x128x128xf32>,
    %get3A_152 = arith.constant 0 : index
    %get3A_153 = arith.constant 768 : index
    %get3A_154 = arith.constant 0 : index
    %get3A_155 = vector.load %arg0[%get3A_152, %get3A_153, %get3A_154] : memref<2x1024x128xf32, #tpu.memory_space<vmem>>, vector<1x128x128xf32>
    %get3A_156 = vector.shape_cast %get3A_155 : vector<1x128x128xf32> to vector<128x128xf32>
    %get3A_157 = arith.constant 1 : index
    %get3A_158 = arith.constant 768 : index
    %get3A_159 = arith.constant 0 : index
    %get3A_160 = vector.load %arg0[%get3A_157, %get3A_158, %get3A_159] : memref<2x1024x128xf32, #tpu.memory_space<vmem>>, vector<1x128x128xf32>
    %get3A_161 = vector.shape_cast %get3A_160 : vector<1x128x128xf32> to vector<128x128xf32>
    %add3A_162 = arith.addf %get3A_156, %get3A_161 : vector<128x128xf32>
    %get3A_163 = arith.constant 6 : index
    %get3A_164 = arith.constant 0 : index
    %get3A_165 = arith.constant 0 : index
    %get3A_166 = vector.load %arg1[%get3A_163, %get3A_164, %get3A_165] : memref<8x128x1xf32, #tpu.memory_space<vmem>>, vector<1x128x1xf32>
    %get3A_167 = vector.shape_cast %get3A_166 : vector<1x128x1xf32> to vector<128x1xf32>
    %mul3A_168 = vector.broadcast %get3A_167 : vector<128x1xf32> to vector<128x128xf32>
    %mul3A_169 = arith.mulf %div3A_5, %mul3A_168 : vector<128x128xf32>
    %sub3A_170 = arith.subf %mul3A_169, %add3A_162 : vector<128x128xf32>
    %swap3A_171 = arith.constant 6 : index
    %swap3A_172 = arith.constant 0 : index
    %swap3A_173 = arith.constant 0 : index
    %swap3A_174 = vector.load %arg5[%swap3A_171, %swap3A_172, %swap3A_173] : memref<8x128x128xf32, #tpu.memory_space<vmem>>, vector<1x128x128xf32>
    %swap3A_175 = vector.shape_cast %swap3A_174 : vector<1x128x128xf32> to vector<128x128xf32>
    %swap3A_176 = vector.shape_cast %sub3A_170 : vector<128x128xf32> to vector<1x128x128xf32>
    tpu.vector_store %arg5[%swap3A_171, %swap3A_172, %swap3A_173], %swap3A_176 {strides = array<i32>} : memref<8x128x128xf32, #tpu.memory_space<vmem>>, vector<1x128x128xf32>,
    %get3A_177 = arith.constant 0 : index
    %get3A_178 = arith.constant 896 : index
    %get3A_179 = arith.constant 0 : index
    %get3A_180 = vector.load %arg0[%get3A_177, %get3A_178, %get3A_179] : memref<2x1024x128xf32, #tpu.memory_space<vmem>>, vector<1x128x128xf32>
    %get3A_181 = vector.shape_cast %get3A_180 : vector<1x128x128xf32> to vector<128x128xf32>
    %get3A_182 = arith.constant 1 : index
    %get3A_183 = arith.constant 896 : index
    %get3A_184 = arith.constant 0 : index
    %get3A_185 = vector.load %arg0[%get3A_182, %get3A_183, %get3A_184] : memref<2x1024x128xf32, #tpu.memory_space<vmem>>, vector<1x128x128xf32>
    %get3A_186 = vector.shape_cast %get3A_185 : vector<1x128x128xf32> to vector<128x128xf32>
    %add3A_187 = arith.addf %get3A_181, %get3A_186 : vector<128x128xf32>
    %get3A_188 = arith.constant 7 : index
    %get3A_189 = arith.constant 0 : index
    %get3A_190 = arith.constant 0 : index
    %get3A_191 = vector.load %arg1[%get3A_188, %get3A_189, %get3A_190] : memref<8x128x1xf32, #tpu.memory_space<vmem>>, vector<1x128x1xf32>
    %get3A_192 = vector.shape_cast %get3A_191 : vector<1x128x1xf32> to vector<128x1xf32>
    %mul3A_193 = vector.broadcast %get3A_192 : vector<128x1xf32> to vector<128x128xf32>
    %mul3A_194 = arith.mulf %div3A_5, %mul3A_193 : vector<128x128xf32>
    %sub3A_195 = arith.subf %mul3A_194, %add3A_187 : vector<128x128xf32>
    %swap3A_196 = arith.constant 7 : index
    %swap3A_197 = arith.constant 0 : index
    %swap3A_198 = arith.constant 0 : index
    %swap3A_199 = vector.load %arg5[%swap3A_196, %swap3A_197, %swap3A_198] : memref<8x128x128xf32, #tpu.memory_space<vmem>>, vector<1x128x128xf32>
    %swap3A_200 = vector.shape_cast %swap3A_199 : vector<1x128x128xf32> to vector<128x128xf32>
    %swap3A_201 = vector.shape_cast %sub3A_195 : vector<128x128xf32> to vector<1x128x128xf32>
    tpu.vector_store %arg5[%swap3A_196, %swap3A_197, %swap3A_198], %swap3A_201 {strides = array<i32>} : memref<8x128x128xf32, #tpu.memory_space<vmem>>, vector<1x128x128xf32>,
    %get3A_202 = arith.constant 0 : index
    %get3A_203 = arith.constant 0 : index
    %get3A_204 = arith.constant 0 : index
    %get3A_205 = vector.load %arg5[%get3A_202, %get3A_203, %get3A_204] : memref<8x128x128xf32, #tpu.memory_space<vmem>>, vector<8x128x128xf32>
    %broadcast_in_dim3A = arith.constant 1.000000e+00 : f32
    %broadcast_in_dim3A_206 = vector.broadcast %broadcast_in_dim3A : f32 to vector<8x128xf32>
    %iota3A = tpu.iota {dimensions = array<i32: 1>} : vector<8x128xi32>
    %convert_element_type3A = arith.sitofp %iota3A : vector<8x128xi32> to vector<8x128xf32>
    %mul3A_207 = arith.constant 1.000000e-03 : f32
    %mul3A_208 = vector.broadcast %mul3A_207 : f32 to vector<8x128xf32>
    %mul3A_209 = arith.mulf %convert_element_type3A, %mul3A_208 : vector<8x128xf32>
    %add3A_210 = arith.addf %broadcast_in_dim3A_206, %mul3A_209 : vector<8x128xf32>
    %mul3A_211 = arith.mulf %add3A_210, %add3A_210 : vector<8x128xf32>
    %reduce_sum3A = arith.constant dense<0.000000e+00> : vector<8xf32>
    %reduce_sum3A_212 = vector.multi_reduction <add>, %mul3A_211, %reduce_sum3A [1] : vector<8x128xf32> to vector<8xf32>
    %broadcast_in_dim3A_213 = vector.shape_cast %reduce_sum3A_212 : vector<8xf32> to vector<8x1xf32>
    %sqrt3A = math.sqrt %broadcast_in_dim3A_213 : vector<8x1xf32>
    %div3A_214 = vector.broadcast %sqrt3A : vector<8x1xf32> to vector<8x128xf32>
    %div3A_215 = arith.divf %add3A_210, %div3A_214 : vector<8x128xf32>
    %scan3A = arith.constant 0 : i32
    %scan3A_216 = arith.constant 12 : i32
    %scan3A_217 = arith.addi %scan3A, %scan3A_216 : i32
    %scan3A_218 = arith.constant 1 : i32
    %scan3A_219 = scf.for %scan3A_237 = %scan3A to %scan3A_217 step %scan3A_218 iter_args(%scan3A_238 = %div3A_215) -> (vector<8x128xf32>)  : i32 {
      %broadcast_in_dim3A_239 = vector.shape_cast %scan3A_238 : vector<8x128xf32> to vector<8x1x128xf32>
      %mul3A_240 = vector.broadcast %broadcast_in_dim3A_239 : vector<8x1x128xf32> to vector<8x128x128xf32>
      %mul3A_241 = arith.mulf %get3A_205, %mul3A_240 : vector<8x128x128xf32>
      %reduce_sum3A_242 = arith.constant dense<0.000000e+00> : vector<8x128xf32>
      %reduce_sum3A_243 = vector.multi_reduction <add>, %mul3A_241, %reduce_sum3A_242 [2] : vector<8x128x128xf32> to vector<8x128xf32>
      %broadcast_in_dim3A_244 = vector.shape_cast %reduce_sum3A_243 : vector<8x128xf32> to vector<8x128x1xf32>
      %mul3A_245 = vector.broadcast %broadcast_in_dim3A_244 : vector<8x128x1xf32> to vector<8x128x128xf32>
      %mul3A_246 = arith.mulf %get3A_205, %mul3A_245 : vector<8x128x128xf32>
      %reduce_sum3A_247 = arith.constant dense<0.000000e+00> : vector<8x128xf32>
      %reduce_sum3A_248 = vector.multi_reduction <add>, %mul3A_246, %reduce_sum3A_247 [1] : vector<8x128x128xf32> to vector<8x128xf32>
      %mul3A_249 = arith.mulf %reduce_sum3A_248, %reduce_sum3A_248 : vector<8x128xf32>
      %reduce_sum3A_250 = arith.constant dense<0.000000e+00> : vector<8xf32>
      %reduce_sum3A_251 = vector.multi_reduction <add>, %mul3A_249, %reduce_sum3A_250 [1] : vector<8x128xf32> to vector<8xf32>
      %broadcast_in_dim3A_252 = vector.shape_cast %reduce_sum3A_251 : vector<8xf32> to vector<8x1xf32>
      %sqrt3A_253 = math.sqrt %broadcast_in_dim3A_252 : vector<8x1xf32>
      %add3A_254 = arith.constant 1.000000e-30 : f32
      %add3A_255 = vector.broadcast %add3A_254 : f32 to vector<8x1xf32>
      %add3A_256 = arith.addf %sqrt3A_253, %add3A_255 : vector<8x1xf32>
      %div3A_257 = vector.broadcast %add3A_256 : vector<8x1xf32> to vector<8x128xf32>
      %div3A_258 = arith.divf %reduce_sum3A_248, %div3A_257 : vector<8x128xf32>
      scf.yield %div3A_258 : vector<8x128xf32>
    }
    %broadcast_in_dim3A_220 = vector.shape_cast %scan3A_219 : vector<8x128xf32> to vector<8x1x128xf32>
    %mul3A_221 = vector.broadcast %broadcast_in_dim3A_220 : vector<8x1x128xf32> to vector<8x128x128xf32>
    %mul3A_222 = arith.mulf %get3A_205, %mul3A_221 : vector<8x128x128xf32>
    %reduce_sum3A_223 = arith.constant dense<0.000000e+00> : vector<8x128xf32>
    %reduce_sum3A_224 = vector.multi_reduction <add>, %mul3A_222, %reduce_sum3A_223 [2] : vector<8x128x128xf32> to vector<8x128xf32>
    %mul3A_225 = arith.mulf %reduce_sum3A_224, %reduce_sum3A_224 : vector<8x128xf32>
    %reduce_sum3A_226 = arith.constant dense<0.000000e+00> : vector<8xf32>
    %reduce_sum3A_227 = vector.multi_reduction <add>, %mul3A_225, %reduce_sum3A_226 [1] : vector<8x128xf32> to vector<8xf32>
    %broadcast_in_dim3A_228 = vector.shape_cast %reduce_sum3A_227 : vector<8xf32> to vector<8x1xf32>
    %sqrt3A_229 = math.sqrt %broadcast_in_dim3A_228 : vector<8x1xf32>
    %broadcast_in_dim3A_230 = vector.shape_cast %sqrt3A_229 : vector<8x1xf32> to vector<8x1x1xf32>
    %div3A_231 = vector.broadcast %broadcast_in_dim3A_230 : vector<8x1x1xf32> to vector<8x128x128xf32>
    %div3A_232 = arith.divf %get3A_205, %div3A_231 : vector<8x128x128xf32>
    %swap3A_233 = arith.constant 0 : index
    %swap3A_234 = arith.constant 0 : index
    %swap3A_235 = arith.constant 0 : index
    %swap3A_236 = vector.load %arg4[%swap3A_233, %swap3A_234, %swap3A_235] : memref<8x128x128xf32, #tpu.memory_space<vmem>>, vector<8x128x128xf32>
    tpu.vector_store %arg4[%swap3A_233, %swap3A_234, %swap3A_235], %div3A_232 {strides = array<i32>} : memref<8x128x128xf32, #tpu.memory_space<vmem>>, vector<8x128x128xf32>,
    return
  }
}

</mosaic_0001>

<sc_bundles>
// kernel: kernel.6.cloned.1.call-start
scs
__scs_entry_jumppad:
0x0: {  	(pc) =	sbr.rel $0x88, $3  }
0x1: {  	(tag) =	ssettag $0x0;
	lr =	simm.s32 $0x1  }
0x2: {  	[smem:$0x3F9E] =	sst lr;
	_ =	strace $0xD0000000  }
0x3: {  	_ = 	snop  }
0x4: {  	_ = 	snop  }
0x5: {  	_ = 	snop  }
0x6: {  	_ = 	snop  }
0x7: {  	_ = 	snop  }
__scs_overlays_trampoline_lowered:
0x8: {  	[smem:$0x3FAD] =	sst s0  }
0x9: {  	[smem:$0x3FAE] =	sst s1  }
0xa: {  	[smem:$0x3FAF] =	sst s2  }
0xb: {  	[smem:$0x3FB0] =	sst s3  }
0xc: {  	[smem:$0x3FB1] =	sst s4  }
0xd: {  	[smem:$0x3FB2] =	sst s5  }
0xe: {  	[smem:$0x3FB3] =	sst s6  }
0xf: {  	[smem:$0x3FB4] =	sst s7  }
0x10: {  	[smem:$0x3FB5] =	sst s8  }
0x11: {  	[smem:$0x3FB6] =	sst s9;
	s0 =	simm.s32 @!p0 $0x0  }
0x12: {  	s1 =	sld [smem:$0x3F9C];
	s0 =	simm.s32 @p0 $0x1  }
0x13: {  	[smem:$0x3FB7] =	sst s0;
	s0 =	simm.s32 @!p1 $0x0  }
0x14: {  	s2 =	sld [smem:$0x3F9B];
	s0 =	simm.s32 @p1 $0x1  }
0x15: {  	[smem:$0x3FB8] =	sst s0;
	s0 =	simm.s32 @!p2 $0x0  }
0x16: {  	s3 =	sld [smem:$0x3FDB];
	s0 =	simm.s32 @p2 $0x1  }
0x17: {  	s4 =	simm.s32 $0x1BF5;
	[smem:$0x3FBA] =	sst s0  }
0x18: {  	s0 =	sld [smem:$0x3F9D];
	_ =	swait.ge [sflag:s4], $0x0  }
0x19: {  	s7 =	sld [smem:$0x3F9E]  }
0x1a: {  	s8 =	sadd.s32 $0xFFFFE003, lr  }
0x1b: {  	s9 =	sadd.s32 $0xFFFFFEF7, lr;
	s5 =	simm.s32 $0xFFFFFFFF;
	p2 =	slt.u32 s8, $0xFFFFF086  }
0x1c: {  	p1 =	slt.u32 s9, $0xF7A;
	s5 =	simm.s32 @!p2 $0x0  }
0x1d: {  	s5 =	simm.s32 @p1 $0x1;
	p0 =	seq.s32 s7, s2  }
0x1e: {  	s7 =	smul.u32 @!p0 $0xF7A, s2;
	p2 =	seq.s32 @!p0 s5, $0x0  }
0x1f: {  	s9 =	smul.u32 $0xF7A, s1;
	s8 =	simm.s32 @!p0 $0x1BF5;
	p2 =	por !p2, p0  }
0x20: {  	[sflag:s8] =	ssyncset.s32 @!p0 $0xFFFFF086;
	s6 =	sadd.s32 @!p0 s3, s7;
	s7 =	simm.s32 @!p0 $0x108  }
0x21: {  	s3 =	sadd.s32 s3, s9;
	s6 =	sadd.s32 @!p0 $0x88, s6;
	s7 =	simm.s32 @p2 $0x1082  }
0x22: {  	[simem:s7], [sflag:s8] =	dma.local @!p0 [hbm:s6], $0xF7A  }
0x23: {  	s9 =	sor.u32 $0xD0000000, s2;
	s6 =	simm.s32 $0x108;
	_ =	swait.ge @!p0 [sflag:s8], $0x0  }
0x24: {  	s3 =	sadd.s32 $0x88, s3;
	s6 =	simm.s32 @!p1 $0x1082;
	[sflag:s4] =	ssyncset.s32 $0xFFFFF086  }
0x25: {  	[simem:s6], [sflag:s4] =	dma.local [hbm:s3], $0xF7A  }
0x26: {  	[smem:$0x3F9E] =	sst s1;
	(tag) =	ssettag s2;
	_ =	strace s9  }
0x27: {  	s1 =	sld [smem:$0x3FAE]  }
0x28: {  	s2 =	sld [smem:$0x3FAF]  }
0x29: {  	s4 =	sld [smem:$0x3FB1]  }
0x2a: {  	p0 =	seq.s32 s5, $0x0;
	s5 =	sld [smem:$0x3FB2]  }
0x2b: {  	s6 =	sld [smem:$0x3FB3]  }
0x2c: {  	s7 =	sld [smem:$0x3FB4]  }
0x2d: {  	s3 =	simm.s32 $0x108;
	s8 =	sld [smem:$0x3FB5]  }
0x2e: {  	s3 =	simm.s32 @!p0 $0x1082;
	s9 =	sld [smem:$0x3FB6]  }
0x2f: {  	lr =	sadd.s32 s0, s3;
	s0 =	sld [smem:$0x3FAD]  }
0x30: {  	s3 =	sld [smem:$0x3FB0]  }
0x31: {  	[smem:$0x3FB9] =	sst s10  }
0x32: {  	s10 =	sld [smem:$0x3FB7];
	_ =	sdelay $0x3  }
0x33: {  	p0 =	seq.s32 s10, $0x1;
	s10 =	sld [smem:$0x3FB9];
	_ =	sdelay $0x3  }
0x34: {  	[smem:$0x3FB9] =	sst s10  }
0x35: {  	s10 =	sld [smem:$0x3FB8];
	_ =	sdelay $0x3  }
0x36: {  	p1 =	seq.s32 s10, $0x1;
	s10 =	sld [smem:$0x3FB9];
	_ =	sdelay $0x3  }
0x37: {  	[smem:$0x3FB9] =	sst s10  }
0x38: {  	s10 =	sld [smem:$0x3FBA]  }
0x39: {  	_ = 	snop;
	(pc) =	sbr.ind lr, $3  }
0x3a: {  	_ = 	snop  }
0x3b: {  	_ = 	snop  }
0x3c: {  	p2 =	seq.s32 s10, $0x1;
	s10 =	sld [smem:$0x3FB9]  }
0x3d: {  	_ =	shalt  }
0x3e: {  	_ =	shalt  }
0x3f: {  	_ =	shalt  }
0x40: {  	_ =	shalt  }
0x41: {  	_ =	shalt  }
0x42: {  	_ =	shalt  }
0x43: {  	_ =	shalt  }
0x44: {  	_ =	shalt  }
0x45: {  	_ =	shalt  }
0x46: {  	_ =	shalt  }
0x47: {  	_ =	shalt  }
0x48: {  	_ =	shalt  }
0x49: {  	_ =	shalt  }
0x4a: {  	_ =	shalt  }
0x4b: {  	_ =	shalt  }
0x4c: {  	_ =	shalt  }
0x4d: {  	_ =	shalt  }
0x4e: {  	_ =	shalt  }
0x4f: {  	_ =	shalt  }
0x50: {  	_ =	shalt  }
0x51: {  	_ =	shalt  }
0x52: {  	_ =	shalt  }
0x53: {  	_ =	shalt  }
0x54: {  	_ =	shalt  }
0x55: {  	_ =	shalt  }
0x56: {  	_ =	shalt  }
0x57: {  	_ =	shalt  }
0x58: {  	_ =	shalt  }
0x59: {  	_ =	shalt  }
0x5a: {  	_ =	shalt  }
0x5b: {  	_ =	shalt  }
0x5c: {  	_ =	shalt  }
0x5d: {  	_ =	shalt  }
0x5e: {  	_ =	shalt  }
0x5f: {  	_ =	shalt  }
0x60: {  	_ =	shalt  }
0x61: {  	_ =	shalt  }
0x62: {  	_ =	shalt  }
0x63: {  	_ =	shalt  }
0x64: {  	_ =	shalt  }
0x65: {  	_ =	shalt  }
0x66: {  	_ =	shalt  }
0x67: {  	_ =	shalt  }
0x68: {  	_ =	shalt  }
0x69: {  	_ =	shalt  }
0x6a: {  	_ =	shalt  }
0x6b: {  	_ =	shalt  }
0x6c: {  	_ =	shalt  }
0x6d: {  	_ =	shalt  }
0x6e: {  	_ =	shalt  }
0x6f: {  	_ =	shalt  }
0x70: {  	_ =	shalt  }
0x71: {  	_ =	shalt  }
0x72: {  	_ =	shalt  }
0x73: {  	_ =	shalt  }
0x74: {  	_ =	shalt  }
0x75: {  	_ =	shalt  }
0x76: {  	_ =	shalt  }
0x77: {  	_ =	shalt  }
0x78: {  	_ =	shalt  }
0x79: {  	_ =	shalt  }
0x7a: {  	_ =	shalt  }
0x7b: {  	_ =	shalt  }
0x7c: {  	_ =	shalt  }
0x7d: {  	_ =	shalt  }
0x7e: {  	_ =	shalt  }
0x7f: {  	_ =	shalt  }
0x80: {  	_ =	shalt  }
0x81: {  	_ =	shalt  }
0x82: {  	_ =	shalt  }
0x83: {  	_ =	shalt  }
0x84: {  	_ =	shalt  }
0x85: {  	_ =	shalt  }
0x86: {  	_ =	shalt  }
0x87: {  	_ =	shalt  }
.Lfunc_end0:
.L_simem_size_0:
called_computation_lowered:
.L_overlay_start_0:
0x88: {  	s2 =	sld [smem:$0x3FD9]  }
0x89: {  	s3 =	sld [smem:$0x3FFE];
	_ =	sdelay $0x1  }
0x8a: {  	s1 =	srdreg.scid  }
0x8b: {  	s0 =	sand.u32 $0x1, s1  }
0x8c: {  	s17 =	sshll.u32 s0, $0xA;
	s2 =	sadd.s32 s3, s2  }
0x8d: {  	s2 =	sadd.s32 s2, s17  }
0x8e: {  	[smem:$0x3FC5] =	sst s2  }
0x8f: {  	_ = 	snop  }
0x90: {  	s2 =	sld [smem:$0x3FD0];
	(tm) =	ssettm $0x1  }
0x91: {  	s18 =	sld [smem:$0x3FFB];
	_ =	sdelay $0x3  }
0x92: {  	_ =	strace s18  }
0x93: {  	s3 =	sld [smem:$0x3FFC];
	_ =	sdelay $0x3  }
0x94: {  	_ =	strace s3  }
0x95: {  	s3 =	sld [smem:$0x3FFD];
	_ =	sdelay $0x3  }
0x96: {  	_ =	strace s3  }
0x97: {  	_ =	strace $0x8FFFFFFF  }
0x98: {  	s19 =	sld [smem:$0x3FDB];
	_ =	sdelay $0x1  }
0x99: {  	s4 =	simm.s32 $_scs_section_size  }
0x9a: {  	s5 =	simm.s32 $_size__tile_overlayer_lowered;
	s6 =	simm.s32 $_tile_overlayer_lowered  }
0x9b: {  	s22 =	simm.s32 $0x1BFF;
	s21 =	sshll.u32 s6, $0x1;
	s3 =	sadd.s32 s4, s19  }
0x9c: {  	s7 =	simm.s32 $0x0;
	s20 =	sshll.u32 s5, $0x1;
	s5 =	sadd.s32 s21, s3  }
0x9d: {  	[timem:s7], [sflag:s22] =	dma.local [hbm:s5], s20  }
0x9e: {  	_ =	swait.ge [sflag:s22], s20  }
0x9f: {  	s4 =	ssub.s32 $0x0, s20;
	[sflag:s22] =	ssyncset.done $0x0  }
0xa0: {  	[sflag:s22] =	ssyncadd.s32 s4;
	_ =	sdelay $0x1  }
0xa1: {  	s23 =	simm.s32 $0x1B8B  }
0xa2: {  	_ =	swait.ge [sflag:s23], $0x1  }
0xa3: {  	[sflag:s23] =	ssyncset.done $0x0  }
0xa4: {  	s25 =	simm.s32 $0x1B8E;
	s24 =	sld [smem:$0x3FFE];
	[sflag:s23] =	ssyncadd.s32 $0xFFFFFFFF  }
0xa5: {  	s26 =	simm.s32 $execute0_lowered;
	[smem:$0x3FD2] =	sst s25  }
0xa6: {  	s5 =	sshll.u32 s26, $0x1;
	_ =	strace $0x80000046;
	[dreg:$0x1] =	wrdreg $0xFFFFFFFF  }
0xa7: {  	s28 =	simm.s32 $_size_execute0_lowered;
	s3 =	sadd.s32 s3, s5;
	[dreg:$0x0] =	wrdreg $0x0  }
0xa8: {  	s5 =	sshll.u32 s28, $0x1;
	[dreg:$0x2] =	wrdreg s3  }
0xa9: {  	[dreg:$0x3] =	wrdreg s5  }
0xaa: {  	[dreg:$0x4] =	wrdreg $0xC0  }
0xab: {  	_ =	task [dreg:s7], $0x5FFFF  }
0xac: {  	[dreg:$0x1] =	wrdreg $0xFFFFFFFF  }
0xad: {  	[dreg:$0x0] =	wrdreg $0x60  }
0xae: {  	[dreg:$0x2] =	wrdreg s24  }
0xaf: {  	[dreg:$0x3] =	wrdreg s2  }
0xb0: {  	[dreg:$0x4] =	wrdreg $0x0  }
0xb1: {  	[dreg:$0x5] =	wrdreg $0x9  }
0xb2: {  	_ =	task.clear_ibuf [dreg:s7], $0x6FFFF;
	_ =	strace $0x90000046  }
0xb3: {  	s29 =	simm.s32 $0x9;
	_ =	strace $0x80000048  }
0xb4: {  	_ =	swait.ge [sflag:s29], $0x1  }
0xb5: {  	[sflag:s29] =	ssyncadd.s32 $0xFFFFFFFF  }
0xb6: {  	_ =	strace $0x90000048  }
0xb7: {  	_ =	sfence  }
0xb8: {  	s30 =	sld [smem:$0x0];
	_ =	sdelay $0x2  }
0xb9: {  	s31 =	sshll.u32 s1, $0xD;
	s1 =	sshrl.u32 s1, $0x2  }
0xba: {  	s3 =	sand.u32 $0x4000, s31;
	s1 =	sadd.s32 s1, s30  }
0xbb: {  	s0 =	sor.u32 s3, s0;
	s1 =	sshll.u32 s1, $0x11  }
0xbc: {  	s0 =	sor.u32 s1, s0  }
0xbd: {  	s0 =	sadd.s32 $0x8F2B, s0  }
0xbe: {  	[sflag:s0] =	ssyncadd.remote.s32 $0x1  }
0xbf: {  	_ =	sfence.sel $0xFFFF  }
0xc0: {  	[dreg:$0x0] =	wrdreg $0xFFFFFFFF;
	(pc) =	sbr.abs _section_cstart, $3  }
0xc1: {  	[dreg:$0x1] =	wrdreg $0xFFFFFFFF  }
0xc2: {  	_ =	task.clear_ibuf [dreg:s7], $0x2FFFF;
	_ =	strace $0x9FFFFFFF  }
0xc3: {  	(tm) =	ssettm $0x7FFFFFFF  }
tec
execute0_lowered:
.L_overlay_start_1:
0x0: {  	(tag) =	ssettag $0x1  }
0x1: {  	s1 =	srdreg.scid  }
0x2: {  	s13 =	rddreg [dreg:$0x0];
	s0 =	stileid.u32;
	s14 =	sand.u32 $0x1, s1  }
0x3: {  	s2 =	rddreg [dreg:$0x1];
	s5 =	sshll.u32 s0, $0x7;
	s6 =	sshll.u32 s14, $0x6  }
0x4: {  	s3 =	rddreg [dreg:$0x2];
	s8 =	sor.u32 s6, s5  }
0x5: {  	s4 =	simm.s32 $0x0;
	s1 =	rddreg [dreg:$0x3];
	s5 =	sshrl.u32 s8, $0x3  }
0x6: {  	s7 =	simm.s32 $0x2000;
	[smem:$0x7FF] =	sst s4;
	s5 =	sadd.s32 s5, s13  }
0x7: {  	_ =	strace $0x80000047;
	s6 =	simm.s32 $0x1;
	s5 =	sadd.s32 $0x8C00, s5  }
0x8: {  	[tilespmem:s7], [sflag:$0x1] =	stream.linear.gather [hbm4b:s5+s4], $0x40, $0x38;
	[tilespmem:$0x4080] =	vst v63  }
0x9: {  	s8 =	sshll.u32 s8, $0x4;
	_ =	swait.ge [sflag:s6], $0x40  }
0xa: {  	s8 =	sadd.s32 s8, s13;
	[sflag:s6] =	ssyncset.done $0x0  }
0xb: {  	s9 =	simm.s32 $0x2080;
	s8 =	sadd.s32 $0xC00, s8;
	[sflag:s6] =	ssyncadd.s32 $0xFFFFFFC0  }
0xc: {  	[tilespmem:s9], [sflag:$0x1] =	stream.linear.gather [hbm4b:s8+s4], $0x2000, $0x38;
	[tilespmem:$0x4080] =	vst v63  }
0xd: {  	s10 =	sshll.u32 s0, $0xD;
	_ =	swait.ge [sflag:s6], $0x2000  }
0xe: {  	s29 =	sshll.u32 s0, $0x6;
	s11 =	sadd.s32 s10, s3;
	[sflag:s6] =	ssyncset.done $0x0  }
0xf: {  	s10 =	sor.u32 $0x1C01, s29;
	s11 =	sshrl.u32 s11, $0x3;
	[sflag:s6] =	ssyncadd.s32 $0xFFFFE000  }
0x10: {  	[spmem:s11], [sflag:s10] =	dma.local [hbm:s2], $0x400  }
0x11: {  	_ =	swait.ge [sflag:s6], $0x400  }
0x12: {  	s12 =	simm.s32 $0x40;
	s30 =	ssub.s32 $0x2, s14;
	[sflag:s6] =	ssyncset.done $0x0  }
0x13: {  	s15 =	sshll.u32 s0, $0xA;
	s16 =	sshrl.u32 s30, $0x1;
	[sflag:s6] =	ssyncadd.s32 $0xFFFFFC00  }
0x14: {  	s13 =	sadd.s32 s15, s13;
	s15 =	ssub.s32 s30, s16;
	[bflag:$0x0] =	sbarrier.arrive $0xFFFF  }
0x15: {  	[spmem:s3] =	stream.indirect.scatter.add.f32 [tilespmem:s9], [sflag:$0x1], $0x80, s7, s12, $0xb8;
	[tilespmem:$0x4080] =	vst v63  }
0x16: {  	s31 =	smax.u32 s15, $0x1;
	_ =	swait.ge [sflag:s6], $0x2000  }
0x17: {  	s14 =	sshll.u32 s14, $0xE;
	p0 =	sne.s32 s31, $0x1;
	[sflag:s6] =	ssyncset.done $0x0  }
.Ltmp0:
0x18: {  	s13 =	sadd.s32 s14, s13;
	[sflag:s6] =	ssyncadd.s32 $0xFFFFE000;
	(pc) =	sbr.rel @!p0 .LBB2_2-.Ltmp0, $4  }
0x19: {  	s13 =	sadd.s32 $0x8E00, s13;
	[bflag:$0x0] =	sbarrier.arrive $0xFFFF  }
0x1a: {  	[hbm:s13], [sflag:s10] =	dma.local [spmem:s11], $0x400  }
0x1b: {  	_ =	swait.ge [sflag:s6], $0x400  }
0x1c: {  	s14 =	sadd.s32 $0xFFFFFFFF, s31;
	[sflag:s6] =	ssyncset.done $0x0  }
.LBB2_1:
0x1d: {  	p0 =	sne.s32 s14, $0x1;
	s14 =	sadd.s32 $0xFFFFFFFF, s14;
	[sflag:s6] =	ssyncadd.s32 $0xFFFFFC00  }
0x1e: {  	[tilespmem:s7], [sflag:$0x1] =	stream.linear.gather [hbm4b:s5+s4], $0x40, $0x38;
	[tilespmem:$0x4080] =	vst v63  }
0x1f: {  	_ =	swait.ge [sflag:s6], $0x40  }
0x20: {  	[sflag:s6] =	ssyncset.done $0x0  }
0x21: {  	[sflag:s6] =	ssyncadd.s32 $0xFFFFFFC0  }
0x22: {  	[tilespmem:s9], [sflag:$0x1] =	stream.linear.gather [hbm4b:s8+s4], $0x2000, $0x38;
	[tilespmem:$0x4080] =	vst v63  }
0x23: {  	_ =	swait.ge [sflag:s6], $0x2000  }
0x24: {  	[sflag:s6] =	ssyncset.done $0x0  }
0x25: {  	[sflag:s6] =	ssyncadd.s32 $0xFFFFE000  }
0x26: {  	[spmem:s11], [sflag:s10] =	dma.local [hbm:s2], $0x400  }
0x27: {  	_ =	swait.ge [sflag:s6], $0x400  }
0x28: {  	[sflag:s6] =	ssyncset.done $0x0  }
0x29: {  	[sflag:s6] =	ssyncadd.s32 $0xFFFFFC00  }
0x2a: {  	[bflag:$0x0] =	sbarrier.arrive $0xFFFF  }
0x2b: {  	[spmem:s3] =	stream.indirect.scatter.add.f32 [tilespmem:s9], [sflag:$0x1], $0x80, s7, s12, $0xb8;
	[tilespmem:$0x4080] =	vst v63  }
0x2c: {  	_ =	swait.ge [sflag:s6], $0x2000  }
0x2d: {  	[sflag:s6] =	ssyncset.done $0x0  }
.Ltmp1:
0x2e: {  	[sflag:s6] =	ssyncadd.s32 $0xFFFFE000;
	(pc) =	sbr.rel @p0 .LBB2_1-.Ltmp1, $4  }
0x2f: {  	[bflag:$0x0] =	sbarrier.arrive $0xFFFF  }
0x30: {  	[hbm:s13], [sflag:s10] =	dma.local [spmem:s11], $0x400  }
0x31: {  	_ =	swait.ge [sflag:s6], $0x400  }
0x32: {  	[sflag:s6] =	ssyncset.done $0x0  }
.LBB2_2:
0x33: {  	[sflag:s6] =	ssyncadd.s32 $0xFFFFFC00  }
0x34: {  	_ =	sfence.sel $0x180000  }
0x35: {  	[bflag:$0x0] =	sbarrier.arrive $0xFFFF  }
0x36: {  	p0 =	sne.s32 s0, $0x0;
	_ =	strace $0x90000047  }
0x37: {  	s0 =	sadd.s32 @!p0 $0x100000, s1;
	[bflag:$0x2] =	sbarrier.arrive $0xFFFF  }
0x38: {  	[sflag:s0] =	ssyncadd.tile.s32 @!p0 $0x1;
	_ =	shalt  }
.Lfunc_end2:
_tile_overlayer_lowered:
.L_overlay_start_2:
0x39: {  	(tag) =	ssettag $0x2  }
0x3a: {  	s0 =	rddreg [dreg:$0x0];
	s2 =	stileid.u32  }
0x3b: {  	s1 =	rddreg [dreg:$0x1];
	p0 =	sne.s32 s2, $0x0  }
0x3c: {  	s3 =	rddreg [dreg:$0x2];
	[bflag:$0x3] =	sbarrier.arrive $0xFFFF;
	s2 =	simm.s32 @!p0 $0x1C01  }
0x3d: {  	[timem:s3], [sflag:s2] =	dma.local @!p0 [hbm:s0], s1  }
0x3e: {  	s0 =	simm.s32 @!p0 $0x1  }
0x3f: {  	_ =	swait.ge @!p0 [sflag:s0], s1  }
0x40: {  	s1 =	ssub.s32 @!p0 $0x0, s1;
	[sflag:s0] =	ssyncset.done @!p0 $0x0  }
0x41: {  	[sflag:s0] =	ssyncadd.s32 @!p0 s1  }
0x42: {  	[bflag:$0x3] =	sbarrier.arrive $0xFFFF  }
0x43: {  	_ =	shalt  }

</sc_bundles>
